<compile_context>
chip_gen: v7x
topology: tpu7x:2x2x1
jax: 0.10.2.dev20260603
libtpu: 0.0.44.dev20260713+nightly
codegen_flags: <defaults>
</compile_context>

<pallas_src>
import jax
import jax.numpy as jnp
from jax import lax
from jax.experimental import pallas as pl
from jax.experimental.pallas import tpu as pltpu
from jax.experimental.pallas import tpu_sc as plsc

N = 100000
NUM_FEATURES = 9
VOCAB = 128
D = 128
PAIRS = D // 2
N_TILES = 32
ATOMS_PER_TILE = 1792
CHUNK = 112
SC_ATOMS = N_TILES * ATOMS_PER_TILE
N_PAD = 100352
FEAT_PAD = 16
TBL_WORDS = NUM_FEATURES * VOCAB * PAIRS + 64
NCHUNKS = ATOMS_PER_TILE // CHUNK
FWORDS = CHUNK * FEAT_PAD
OWORDS = CHUNK * D

SCALE = 1.0 / 3.0


def _emit_atom(tbl_v, fbuf, obuf, a, iota, iota2):
    fv = fbuf[pl.ds(a * FEAT_PAD, FEAT_PAD)] * PAIRS
    idx = [
        fv.at[jnp.full((16,), i, jnp.int32)].get(mode="promise_in_bounds")
        + iota
        for i in range(9)
    ]
    obase = a * D
    for c in range(4):
        g = [plsc.bitcast(
                plsc.load_gather(
                    tbl_v.at[pl.ds(i * (VOCAB * PAIRS) + c * 16,
                                   VOCAB * PAIRS)],
                    [idx[i]]),
                jnp.bfloat16) for i in range(9)]
        t01, t23 = g[0] + g[1], g[2] + g[3]
        t45, t67 = g[4] + g[5], g[6] + g[7]
        acc = ((t01 + t23) + (t45 + t67)) + g[8]
        acc32 = plsc.bitcast(acc, jnp.int32)
        lo = plsc.bitcast(lax.shift_left(acc32, 16), jnp.float32) * SCALE
        hi = plsc.bitcast(
            lax.bitwise_and(acc32, jnp.int32(-65536)), jnp.float32) * SCALE
        obuf[pl.ds(obase + c * 16, 16)] = lo
        obuf[pl.ds(obase + 64 + c * 16, 16)] = hi


def _compute_chunk(tbl_v, fbuf, obuf, natoms, iota, iota2):
    @plsc.parallel_loop(0, natoms, step=1, unroll=4)
    def atom_body(a):
        _emit_atom(tbl_v, fbuf, obuf, a, iota, iota2)


def _body(feats_hbm, tables_hbm, out_hbm, tbl_v, feats_v, out_v, fsem, osem):
    t = lax.axis_index("s") * 2 + lax.axis_index("c")
    pltpu.sync_copy(tables_hbm, tbl_v)

    iota = lax.broadcasted_iota(jnp.int32, (16,), 0)
    iota2 = iota * 2
    base = t * ATOMS_PER_TILE
    nchunks = NCHUNKS

    def feats_dma(ci, b):
        row0 = base + ci * CHUNK
        return pltpu.make_async_copy(
            feats_hbm.at[pl.ds(row0 * FEAT_PAD, FWORDS)],
            feats_v.at[pl.ds(b * FWORDS, FWORDS)], fsem.at[b])

    feats_dma(0, 0).start()

    def chunk_body(ci, carry):
        b = lax.rem(ci, 2)
        @pl.when(ci + 1 < nchunks)
        def _pf():
            feats_dma(ci + 1, 1 - b).start()

        @pl.when(ci >= 2)
        def _drain():
            pltpu.make_async_copy(
                out_v.at[pl.ds(b * OWORDS, OWORDS)],
                out_hbm.at[pl.ds((base + (ci - 2) * CHUNK) * D, OWORDS)],
                osem.at[b]).wait()

        feats_dma(ci, b).wait()
        _compute_chunk(tbl_v, feats_v.at[pl.ds(b * FWORDS, FWORDS)],
                       out_v.at[pl.ds(b * OWORDS, OWORDS)],
                       CHUNK, iota, iota2)
        pltpu.async_copy(
            out_v.at[pl.ds(b * OWORDS, OWORDS)],
            out_hbm.at[pl.ds((base + ci * CHUNK) * D, OWORDS)],
            osem.at[b])
        return carry

    lax.fori_loop(0, nchunks, chunk_body, 0)

    for k in (2, 1):
        ci = nchunks - k
        b = lax.rem(ci, 2)
        pltpu.make_async_copy(
            out_v.at[pl.ds(b * OWORDS, OWORDS)],
            out_hbm.at[pl.ds((base + ci * CHUNK) * D, OWORDS)],
            osem.at[b]).wait()



TC_BLOCK = 512


def _tc_body(feats_ref, tbl_ref, out_ref):
    ids = feats_ref[...]
    col_iota = lax.broadcasted_iota(jnp.int32, (TC_BLOCK, VOCAB), 1)
    acc = jnp.zeros((TC_BLOCK, D), jnp.float32)
    for i in range(NUM_FEATURES):
        onehot = (ids[:, i:i + 1] == col_iota).astype(jnp.bfloat16)
        acc = acc + jnp.dot(onehot, tbl_ref[i],
                            preferred_element_type=jnp.float32)
    out_ref[...] = acc * jnp.float32(SCALE)


def _tc_lookup(feats_p, tables_bf, rows, row0_blocks):
    grid = rows // TC_BLOCK
    return pl.pallas_call(
        _tc_body,
        grid=(grid,),
        in_specs=[
            pl.BlockSpec((TC_BLOCK, FEAT_PAD), lambda g: (g + row0_blocks, 0)),
            pl.BlockSpec((NUM_FEATURES, VOCAB, D), lambda g: (0, 0, 0)),
        ],
        out_specs=pl.BlockSpec((TC_BLOCK, D), lambda g: (g, 0)),
        out_shape=jax.ShapeDtypeStruct((rows, D), jnp.float32),
    )(feats_p, tables_bf)


@jax.jit
def kernel(feats, tables):
    feats_2d = jnp.pad(feats, ((0, N_PAD - N), (0, FEAT_PAD - NUM_FEATURES)))
    feats_p = feats_2d.reshape(-1)
    tbl = tables.astype(jnp.bfloat16).reshape(NUM_FEATURES * VOCAB, 2, PAIRS)
    tbl = jnp.swapaxes(tbl, 1, 2)
    tbl = lax.bitcast_convert_type(tbl, jnp.int32).reshape(-1)
    tbl = jnp.pad(tbl, (0, TBL_WORDS - tbl.shape[0]))
    run = pl.kernel(
        _body,
        out_type=jax.ShapeDtypeStruct((SC_ATOMS * D,), jnp.float32),
        mesh=plsc.VectorSubcoreMesh(
            core_axis_name="c", subcore_axis_name="s",
            num_cores=2, num_subcores=16),
        compiler_params=pltpu.CompilerParams(needs_layout_passes=False),
        scratch_types=[
            pltpu.VMEM((TBL_WORDS,), jnp.int32),
            pltpu.VMEM((2 * FWORDS,), jnp.int32),
            pltpu.VMEM((2 * OWORDS,), jnp.float32),
            pltpu.SemaphoreType.DMA((2,)),
            pltpu.SemaphoreType.DMA((2,)),
        ],
    )
    sc_out = run(feats_p, tbl).reshape(SC_ATOMS, D)
    tc_out = _tc_lookup(feats_2d, tables.astype(jnp.bfloat16),
                        N_PAD - SC_ATOMS, SC_ATOMS // TC_BLOCK)
    return jnp.concatenate([sc_out, tc_out[:N - SC_ATOMS]], axis=0)

# --- scband reference (transcript-rebuilt; emitter-appended) ---
"""Pipeline reference for scband-atom-embedding-54580444397755 (READ-ONLY COPY).

The authoritative reference and input builder live on the scoring server;
editing this copy changes nothing except your own understanding.
"""

import jax, jax.numpy as jnp
import numpy as np
import math

NUM_FEATURES = 9
VOCAB_SIZE = 128
EMBED_DIM = 128
N = 100000


def setup_inputs(seed: int = 0) -> dict:
    key = jax.random.key(seed)
    k_idx, k_tab = jax.random.split(key)
    feats = jax.random.randint(k_idx, (N, NUM_FEATURES), 0, VOCAB_SIZE, dtype=jnp.int32)
    # One embedding table per atom feature, stacked: [num_features, vocab, embed_dim]
    tables = jax.random.normal(k_tab, (NUM_FEATURES, VOCAB_SIZE, EMBED_DIM), dtype=jnp.float32) * 0.02
    return {"feats": feats, "tables": tables}


def reference(feats, tables):
    # Faithful translation of AtomEmbedding.forward:
    # feats_embed = sum_i scale * embeddings[i](feats[..., i])
    scale = 1.0 / math.sqrt(NUM_FEATURES)
    feats_embed = jnp.zeros(feats.shape[:-1] + (tables.shape[-1],), dtype=tables.dtype)
    for i in range(NUM_FEATURES):
        feats_embed = feats_embed + scale * jnp.take(tables[i], feats[..., i], axis=0)
    return feats_embed

if __name__ == "__main__":
    import jax
    _d = setup_inputs()
    print(jax.jit(kernel)(*tuple(_d.values())))

</pallas_src>

<mosaic_0001>
#map = affine_map<(d0, d1) -> (0)>
module attributes {stable_mosaic.version = 14 : i64} {
  func.func @_body(%arg0: i32, %arg1: i32, %arg2: memref<1605632xi32, #tpu.memory_space<hbm>>, %arg3: memref<73792xi32, #tpu.memory_space<hbm>>, %arg4: memref<7340032xf32, #tpu.memory_space<hbm>>, %arg5: memref<73792xi32, #tpu.memory_space<vmem>>, %arg6: memref<3584xi32, #tpu.memory_space<vmem>>, %arg7: memref<28672xf32, #tpu.memory_space<vmem>>, %arg8: memref<2x!tpu.dma_semaphore, #tpu.memory_space<semaphore_mem>>, %arg9: memref<2x!tpu.dma_semaphore, #tpu.memory_space<semaphore_mem>>) attributes {dimension_semantics = [#tpu.dimension_semantics<core_parallel>, #tpu.dimension_semantics<subcore_parallel>], iteration_bounds = array<i64: 2, 16>, scalar_prefetch = 0 : i64, scratch_operands = 5 : i64, tpu.core_type = #tpu.core_type<sc_vector_subcore>, window_params = [{transform_indices = #map}, {transform_indices = #map}, {transform_indices = #map}]} {
    %mul3A = arith.constant 2 : i32
    %mul3A_0 = arith.muli %arg1, %mul3A : i32
    %add3A = arith.addi %mul3A_0, %arg0 : i32
    "tpu.region"() ({
      %run_scoped3A = tpu.sem_alloc : memref<!tpu.dma_semaphore, #tpu.memory_space<semaphore_mem>>
      tpu.enqueue_dma source(%arg3 : memref<73792xi32, #tpu.memory_space<hbm>>) target(%arg5 : memref<73792xi32, #tpu.memory_space<vmem>>) target_semaphore(%run_scoped3A : memref<!tpu.dma_semaphore, #tpu.memory_space<semaphore_mem>>)
      tpu.wait_dma2 semaphore(%run_scoped3A : memref<!tpu.dma_semaphore, #tpu.memory_space<semaphore_mem>>) src(%arg3 : memref<73792xi32, #tpu.memory_space<hbm>>) dst(%arg5 : memref<73792xi32, #tpu.memory_space<vmem>>)
      tpu.yield
    }) : () -> ()
    %iota3A = tpu.iota {dimensions = array<i32: 0>} : vector<16xi32>
    %mul3A_1 = arith.constant 2 : i32
    %mul3A_2 = vector.broadcast %mul3A_1 : i32 to vector<16xi32>
    %mul3A_3 = arith.muli %iota3A, %mul3A_2 : vector<16xi32>
    %mul3A_4 = arith.constant 1792 : i32
    %mul3A_5 = arith.muli %add3A, %mul3A_4 : i32
    %add3A_6 = arith.constant 0 : i32
    %add3A_7 = arith.addi %mul3A_5, %add3A_6 : i32
    %mul3A_8 = arith.constant 16 : i32
    %mul3A_9 = arith.muli %add3A_7, %mul3A_8 : i32
    %dma_start3A = arith.constant 0 : i32
    %dma_start3A_10 = arith.constant 0 : i32
    %dma_start3A_11 = tpu.memref_slice %arg6[%dma_start3A_10] : memref<3584xi32, #tpu.memory_space<vmem>> -> memref<1792xi32, #tpu.memory_space<vmem>>
    %dma_start3A_12 = tpu.memref_slice %arg2[%mul3A_9] : memref<1605632xi32, #tpu.memory_space<hbm>> -> memref<1792xi32, #tpu.memory_space<hbm>>
    %dma_start3A_13 = tpu.memref_slice %arg8[%dma_start3A] : memref<2x!tpu.dma_semaphore, #tpu.memory_space<semaphore_mem>> -> memref<1x!tpu.dma_semaphore, #tpu.memory_space<semaphore_mem>>
    %dma_start3A_14 = tpu.memref_squeeze %dma_start3A_13 : memref<1x!tpu.dma_semaphore, #tpu.memory_space<semaphore_mem>> -> memref<!tpu.dma_semaphore, #tpu.memory_space<semaphore_mem>>
    %dma_start3A_15 = arith.constant 0 : i32
    %dma_start3A_16 = tpu.memref_slice %arg6[%dma_start3A_15] : memref<3584xi32, #tpu.memory_space<vmem>> -> memref<1792xi32, #tpu.memory_space<vmem>>
    %dma_start3A_17 = tpu.memref_slice %arg2[%mul3A_9] : memref<1605632xi32, #tpu.memory_space<hbm>> -> memref<1792xi32, #tpu.memory_space<hbm>>
    tpu.enqueue_dma source(%dma_start3A_17 : memref<1792xi32, #tpu.memory_space<hbm>>) target(%dma_start3A_16 : memref<1792xi32, #tpu.memory_space<vmem>>) target_semaphore(%dma_start3A_14 : memref<!tpu.dma_semaphore, #tpu.memory_space<semaphore_mem>>)
    %scan3A = arith.constant 0 : i32
    %scan3A_18 = arith.constant 0 : i32
    %scan3A_19 = arith.constant 16 : i32
    %scan3A_20 = arith.addi %scan3A_18, %scan3A_19 : i32
    %scan3A_21 = arith.constant 1 : i32
    scf.for %scan3A_51 = %scan3A_18 to %scan3A_20 step %scan3A_21  : i32 {
      %rem3A_52 = arith.constant 2 : i32
      %rem3A_53 = arith.remsi %scan3A_51, %rem3A_52 : i32
      %add3A_54 = arith.constant 1 : i32
      %add3A_55 = arith.addi %scan3A_51, %add3A_54 : i32
      %lt3A = arith.constant 16 : i32
      %lt3A_56 = arith.cmpi slt, %add3A_55, %lt3A : i32
      %convert_element_type3A = arith.extui %lt3A_56 : i1 to i32
      %cond3A = arith.constant 0 : i32
      %cond3A_57 = arith.cmpi ne, %convert_element_type3A, %cond3A : i32
      scf.if %cond3A_57 {
        %add3A_94 = arith.constant 1 : i32
        %add3A_95 = arith.addi %scan3A_51, %add3A_94 : i32
        %sub3A = arith.constant 1 : i32
        %sub3A_96 = arith.subi %sub3A, %rem3A_53 : i32
        %mul3A_97 = arith.constant 112 : i32
        %mul3A_98 = arith.muli %add3A_95, %mul3A_97 : i32
        %add3A_99 = arith.addi %mul3A_5, %mul3A_98 : i32
        %mul3A_100 = arith.constant 16 : i32
        %mul3A_101 = arith.muli %add3A_99, %mul3A_100 : i32
        %mul3A_102 = arith.constant 1792 : i32
        %mul3A_103 = arith.muli %sub3A_96, %mul3A_102 : i32
        %dma_start3A_104 = tpu.memref_slice %arg6[%mul3A_103] : memref<3584xi32, #tpu.memory_space<vmem>> -> memref<1792xi32, #tpu.memory_space<vmem>>
        %dma_start3A_105 = tpu.memref_slice %arg2[%mul3A_101] : memref<1605632xi32, #tpu.memory_space<hbm>> -> memref<1792xi32, #tpu.memory_space<hbm>>
        %dma_start3A_106 = tpu.memref_slice %arg8[%sub3A_96] : memref<2x!tpu.dma_semaphore, #tpu.memory_space<semaphore_mem>> -> memref<1x!tpu.dma_semaphore, #tpu.memory_space<semaphore_mem>>
        %dma_start3A_107 = tpu.memref_squeeze %dma_start3A_106 : memref<1x!tpu.dma_semaphore, #tpu.memory_space<semaphore_mem>> -> memref<!tpu.dma_semaphore, #tpu.memory_space<semaphore_mem>>
        %dma_start3A_108 = tpu.memref_slice %arg6[%mul3A_103] : memref<3584xi32, #tpu.memory_space<vmem>> -> memref<1792xi32, #tpu.memory_space<vmem>>
        %dma_start3A_109 = tpu.memref_slice %arg2[%mul3A_101] : memref<1605632xi32, #tpu.memory_space<hbm>> -> memref<1792xi32, #tpu.memory_space<hbm>>
        tpu.enqueue_dma source(%dma_start3A_109 : memref<1792xi32, #tpu.memory_space<hbm>>) target(%dma_start3A_108 : memref<1792xi32, #tpu.memory_space<vmem>>) target_semaphore(%dma_start3A_107 : memref<!tpu.dma_semaphore, #tpu.memory_space<semaphore_mem>>)
      } else {
      }
      %ge3A = arith.constant 2 : i32
      %ge3A_58 = arith.cmpi sge, %scan3A_51, %ge3A : i32
      %convert_element_type3A_59 = arith.extui %ge3A_58 : i1 to i32
      %cond3A_60 = arith.constant 0 : i32
      %cond3A_61 = arith.cmpi ne, %convert_element_type3A_59, %cond3A_60 : i32
      scf.if %cond3A_61 {
        %mul3A_94 = arith.constant 14336 : i32
        %mul3A_95 = arith.muli %rem3A_53, %mul3A_94 : i32
        %sub3A = arith.constant 2 : i32
        %sub3A_96 = arith.subi %scan3A_51, %sub3A : i32
        %mul3A_97 = arith.constant 112 : i32
        %mul3A_98 = arith.muli %sub3A_96, %mul3A_97 : i32
        %add3A_99 = arith.addi %mul3A_5, %mul3A_98 : i32
        %mul3A_100 = arith.constant 128 : i32
        %mul3A_101 = arith.muli %add3A_99, %mul3A_100 : i32
        %dma_wait3A_102 = tpu.memref_slice %arg7[%mul3A_95] : memref<28672xf32, #tpu.memory_space<vmem>> -> memref<14336xf32, #tpu.memory_space<vmem>>
        %dma_wait3A_103 = tpu.memref_slice %arg4[%mul3A_101] : memref<7340032xf32, #tpu.memory_space<hbm>> -> memref<14336xf32, #tpu.memory_space<hbm>>
        %dma_wait3A_104 = tpu.memref_slice %arg9[%rem3A_53] : memref<2x!tpu.dma_semaphore, #tpu.memory_space<semaphore_mem>> -> memref<1x!tpu.dma_semaphore, #tpu.memory_space<semaphore_mem>>
        %dma_wait3A_105 = tpu.memref_squeeze %dma_wait3A_104 : memref<1x!tpu.dma_semaphore, #tpu.memory_space<semaphore_mem>> -> memref<!tpu.dma_semaphore, #tpu.memory_space<semaphore_mem>>
        %dma_wait3A_106 = tpu.memref_slice %arg4[%mul3A_101] : memref<7340032xf32, #tpu.memory_space<hbm>> -> memref<14336xf32, #tpu.memory_space<hbm>>
        %dma_wait3A_107 = tpu.memref_slice %arg7[%mul3A_95] : memref<28672xf32, #tpu.memory_space<vmem>> -> memref<14336xf32, #tpu.memory_space<vmem>>
        tpu.wait_dma2 semaphore(%dma_wait3A_105 : memref<!tpu.dma_semaphore, #tpu.memory_space<semaphore_mem>>) src(%dma_wait3A_107 : memref<14336xf32, #tpu.memory_space<vmem>>) dst(%dma_wait3A_106 : memref<14336xf32, #tpu.memory_space<hbm>>)
      } else {
      }
      %mul3A_62 = arith.constant 112 : i32
      %mul3A_63 = arith.muli %scan3A_51, %mul3A_62 : i32
      %add3A_64 = arith.addi %mul3A_5, %mul3A_63 : i32
      %mul3A_65 = arith.constant 16 : i32
      %mul3A_66 = arith.muli %add3A_64, %mul3A_65 : i32
      %mul3A_67 = arith.constant 1792 : i32
      %mul3A_68 = arith.muli %rem3A_53, %mul3A_67 : i32
      %dma_wait3A_69 = tpu.memref_slice %arg6[%mul3A_68] : memref<3584xi32, #tpu.memory_space<vmem>> -> memref<1792xi32, #tpu.memory_space<vmem>>
      %dma_wait3A_70 = tpu.memref_slice %arg2[%mul3A_66] : memref<1605632xi32, #tpu.memory_space<hbm>> -> memref<1792xi32, #tpu.memory_space<hbm>>
      %dma_wait3A_71 = tpu.memref_slice %arg8[%rem3A_53] : memref<2x!tpu.dma_semaphore, #tpu.memory_space<semaphore_mem>> -> memref<1x!tpu.dma_semaphore, #tpu.memory_space<semaphore_mem>>
      %dma_wait3A_72 = tpu.memref_squeeze %dma_wait3A_71 : memref<1x!tpu.dma_semaphore, #tpu.memory_space<semaphore_mem>> -> memref<!tpu.dma_semaphore, #tpu.memory_space<semaphore_mem>>
      %dma_wait3A_73 = tpu.memref_slice %arg6[%mul3A_68] : memref<3584xi32, #tpu.memory_space<vmem>> -> memref<1792xi32, #tpu.memory_space<vmem>>
      %dma_wait3A_74 = tpu.memref_slice %arg2[%mul3A_66] : memref<1605632xi32, #tpu.memory_space<hbm>> -> memref<1792xi32, #tpu.memory_space<hbm>>
      tpu.wait_dma2 semaphore(%dma_wait3A_72 : memref<!tpu.dma_semaphore, #tpu.memory_space<semaphore_mem>>) src(%dma_wait3A_74 : memref<1792xi32, #tpu.memory_space<hbm>>) dst(%dma_wait3A_73 : memref<1792xi32, #tpu.memory_space<vmem>>)
      %mul3A_75 = arith.constant 1792 : i32
      %mul3A_76 = arith.muli %rem3A_53, %mul3A_75 : i32
      %mul3A_77 = arith.constant 14336 : i32
      %mul3A_78 = arith.muli %rem3A_53, %mul3A_77 : i32
      %parallel_loop3A = arith.constant 0 : i32
      %parallel_loop3A_79 = arith.constant 112 : i32
      %parallel_loop3A_80 = arith.constant 1 : i32
      scf.for %parallel_loop3A_94 = %parallel_loop3A to %parallel_loop3A_79 step %parallel_loop3A_80  : i32 {
        %parallel_loop3A_95 = arith.constant 16 : i32
        %parallel_loop3A_96 = arith.muli %parallel_loop3A_94, %parallel_loop3A_95 : i32
        %parallel_loop3A_97 = tpu.memref_slice %arg6[%mul3A_76] : memref<3584xi32, #tpu.memory_space<vmem>> -> memref<1792xi32, #tpu.memory_space<vmem>>
        %parallel_loop3A_98 = arith.index_cast %parallel_loop3A_96 : i32 to index
        %parallel_loop3A_99 = tpu.vector_load %parallel_loop3A_97[%parallel_loop3A_98] {strides = array<i32>} : memref<1792xi32, #tpu.memory_space<vmem>>, vector<16xi32>,
        %parallel_loop3A_100 = arith.constant 64 : i32
        %parallel_loop3A_101 = vector.broadcast %parallel_loop3A_100 : i32 to vector<16xi32>
        %parallel_loop3A_102 = arith.muli %parallel_loop3A_99, %parallel_loop3A_101 : vector<16xi32>
        %parallel_loop3A_103 = arith.constant 0 : i32
        %parallel_loop3A_104 = vector.broadcast %parallel_loop3A_103 : i32 to vector<16xi32>
        %parallel_loop3A_105 = arith.constant 0 : i32
        %parallel_loop3A_106 = vector.broadcast %parallel_loop3A_105 : i32 to vector<16xi32>
        %parallel_loop3A_107 = arith.cmpi slt, %parallel_loop3A_104, %parallel_loop3A_106 : vector<16xi32>
        %parallel_loop3A_108 = arith.constant 16 : i32
        %parallel_loop3A_109 = vector.broadcast %parallel_loop3A_108 : i32 to vector<16xi32>
        %parallel_loop3A_110 = arith.addi %parallel_loop3A_104, %parallel_loop3A_109 : vector<16xi32>
        %parallel_loop3A_111 = arith.select %parallel_loop3A_107, %parallel_loop3A_110, %parallel_loop3A_104 : vector<16xi1>, vector<16xi32>
        %parallel_loop3A_112 = vector.shape_cast %parallel_loop3A_111 : vector<16xi32> to vector<16x1xi32>
        %parallel_loop3A_113 = vector.shape_cast %parallel_loop3A_112 : vector<16x1xi32> to vector<16xi32>
        %parallel_loop3A_114 = tpu.dynamic_gather %parallel_loop3A_102[%parallel_loop3A_113] in [0] : vector<16xi32>, vector<16xi32> -> vector<16xi32>
        %parallel_loop3A_115 = arith.addi %parallel_loop3A_114, %iota3A : vector<16xi32>
        %parallel_loop3A_116 = arith.constant 1 : i32
        %parallel_loop3A_117 = vector.broadcast %parallel_loop3A_116 : i32 to vector<16xi32>
        %parallel_loop3A_118 = arith.constant 0 : i32
        %parallel_loop3A_119 = vector.broadcast %parallel_loop3A_118 : i32 to vector<16xi32>
        %parallel_loop3A_120 = arith.cmpi slt, %parallel_loop3A_117, %parallel_loop3A_119 : vector<16xi32>
        %parallel_loop3A_121 = arith.constant 16 : i32
        %parallel_loop3A_122 = vector.broadcast %parallel_loop3A_121 : i32 to vector<16xi32>
        %parallel_loop3A_123 = arith.addi %parallel_loop3A_117, %parallel_loop3A_122 : vector<16xi32>
        %parallel_loop3A_124 = arith.select %parallel_loop3A_120, %parallel_loop3A_123, %parallel_loop3A_117 : vector<16xi1>, vector<16xi32>
        %parallel_loop3A_125 = vector.shape_cast %parallel_loop3A_124 : vector<16xi32> to vector<16x1xi32>
        %parallel_loop3A_126 = vector.shape_cast %parallel_loop3A_125 : vector<16x1xi32> to vector<16xi32>
        %parallel_loop3A_127 = tpu.dynamic_gather %parallel_loop3A_102[%parallel_loop3A_126] in [0] : vector<16xi32>, vector<16xi32> -> vector<16xi32>
        %parallel_loop3A_128 = arith.addi %parallel_loop3A_127, %iota3A : vector<16xi32>
        %parallel_loop3A_129 = arith.constant 2 : i32
        %parallel_loop3A_130 = vector.broadcast %parallel_loop3A_129 : i32 to vector<16xi32>
        %parallel_loop3A_131 = arith.constant 0 : i32
        %parallel_loop3A_132 = vector.broadcast %parallel_loop3A_131 : i32 to vector<16xi32>
        %parallel_loop3A_133 = arith.cmpi slt, %parallel_loop3A_130, %parallel_loop3A_132 : vector<16xi32>
        %parallel_loop3A_134 = arith.constant 16 : i32
        %parallel_loop3A_135 = vector.broadcast %parallel_loop3A_134 : i32 to vector<16xi32>
        %parallel_loop3A_136 = arith.addi %parallel_loop3A_130, %parallel_loop3A_135 : vector<16xi32>
        %parallel_loop3A_137 = arith.select %parallel_loop3A_133, %parallel_loop3A_136, %parallel_loop3A_130 : vector<16xi1>, vector<16xi32>
        %parallel_loop3A_138 = vector.shape_cast %parallel_loop3A_137 : vector<16xi32> to vector<16x1xi32>
        %parallel_loop3A_139 = vector.shape_cast %parallel_loop3A_138 : vector<16x1xi32> to vector<16xi32>
        %parallel_loop3A_140 = tpu.dynamic_gather %parallel_loop3A_102[%parallel_loop3A_139] in [0] : vector<16xi32>, vector<16xi32> -> vector<16xi32>
        %parallel_loop3A_141 = arith.addi %parallel_loop3A_140, %iota3A : vector<16xi32>
        %parallel_loop3A_142 = arith.constant 3 : i32
        %parallel_loop3A_143 = vector.broadcast %parallel_loop3A_142 : i32 to vector<16xi32>
        %parallel_loop3A_144 = arith.constant 0 : i32
        %parallel_loop3A_145 = vector.broadcast %parallel_loop3A_144 : i32 to vector<16xi32>
        %parallel_loop3A_146 = arith.cmpi slt, %parallel_loop3A_143, %parallel_loop3A_145 : vector<16xi32>
        %parallel_loop3A_147 = arith.constant 16 : i32
        %parallel_loop3A_148 = vector.broadcast %parallel_loop3A_147 : i32 to vector<16xi32>
        %parallel_loop3A_149 = arith.addi %parallel_loop3A_143, %parallel_loop3A_148 : vector<16xi32>
        %parallel_loop3A_150 = arith.select %parallel_loop3A_146, %parallel_loop3A_149, %parallel_loop3A_143 : vector<16xi1>, vector<16xi32>
        %parallel_loop3A_151 = vector.shape_cast %parallel_loop3A_150 : vector<16xi32> to vector<16x1xi32>
        %parallel_loop3A_152 = vector.shape_cast %parallel_loop3A_151 : vector<16x1xi32> to vector<16xi32>
        %parallel_loop3A_153 = tpu.dynamic_gather %parallel_loop3A_102[%parallel_loop3A_152] in [0] : vector<16xi32>, vector<16xi32> -> vector<16xi32>
        %parallel_loop3A_154 = arith.addi %parallel_loop3A_153, %iota3A : vector<16xi32>
        %parallel_loop3A_155 = arith.constant 4 : i32
        %parallel_loop3A_156 = vector.broadcast %parallel_loop3A_155 : i32 to vector<16xi32>
        %parallel_loop3A_157 = arith.constant 0 : i32
        %parallel_loop3A_158 = vector.broadcast %parallel_loop3A_157 : i32 to vector<16xi32>
        %parallel_loop3A_159 = arith.cmpi slt, %parallel_loop3A_156, %parallel_loop3A_158 : vector<16xi32>
        %parallel_loop3A_160 = arith.constant 16 : i32
        %parallel_loop3A_161 = vector.broadcast %parallel_loop3A_160 : i32 to vector<16xi32>
        %parallel_loop3A_162 = arith.addi %parallel_loop3A_156, %parallel_loop3A_161 : vector<16xi32>
        %parallel_loop3A_163 = arith.select %parallel_loop3A_159, %parallel_loop3A_162, %parallel_loop3A_156 : vector<16xi1>, vector<16xi32>
        %parallel_loop3A_164 = vector.shape_cast %parallel_loop3A_163 : vector<16xi32> to vector<16x1xi32>
        %parallel_loop3A_165 = vector.shape_cast %parallel_loop3A_164 : vector<16x1xi32> to vector<16xi32>
        %parallel_loop3A_166 = tpu.dynamic_gather %parallel_loop3A_102[%parallel_loop3A_165] in [0] : vector<16xi32>, vector<16xi32> -> vector<16xi32>
        %parallel_loop3A_167 = arith.addi %parallel_loop3A_166, %iota3A : vector<16xi32>
        %parallel_loop3A_168 = arith.constant 5 : i32
        %parallel_loop3A_169 = vector.broadcast %parallel_loop3A_168 : i32 to vector<16xi32>
        %parallel_loop3A_170 = arith.constant 0 : i32
        %parallel_loop3A_171 = vector.broadcast %parallel_loop3A_170 : i32 to vector<16xi32>
        %parallel_loop3A_172 = arith.cmpi slt, %parallel_loop3A_169, %parallel_loop3A_171 : vector<16xi32>
        %parallel_loop3A_173 = arith.constant 16 : i32
        %parallel_loop3A_174 = vector.broadcast %parallel_loop3A_173 : i32 to vector<16xi32>
        %parallel_loop3A_175 = arith.addi %parallel_loop3A_169, %parallel_loop3A_174 : vector<16xi32>
        %parallel_loop3A_176 = arith.select %parallel_loop3A_172, %parallel_loop3A_175, %parallel_loop3A_169 : vector<16xi1>, vector<16xi32>
        %parallel_loop3A_177 = vector.shape_cast %parallel_loop3A_176 : vector<16xi32> to vector<16x1xi32>
        %parallel_loop3A_178 = vector.shape_cast %parallel_loop3A_177 : vector<16x1xi32> to vector<16xi32>
        %parallel_loop3A_179 = tpu.dynamic_gather %parallel_loop3A_102[%parallel_loop3A_178] in [0] : vector<16xi32>, vector<16xi32> -> vector<16xi32>
        %parallel_loop3A_180 = arith.addi %parallel_loop3A_179, %iota3A : vector<16xi32>
        %parallel_loop3A_181 = arith.constant 6 : i32
        %parallel_loop3A_182 = vector.broadcast %parallel_loop3A_181 : i32 to vector<16xi32>
        %parallel_loop3A_183 = arith.constant 0 : i32
        %parallel_loop3A_184 = vector.broadcast %parallel_loop3A_183 : i32 to vector<16xi32>
        %parallel_loop3A_185 = arith.cmpi slt, %parallel_loop3A_182, %parallel_loop3A_184 : vector<16xi32>
        %parallel_loop3A_186 = arith.constant 16 : i32
        %parallel_loop3A_187 = vector.broadcast %parallel_loop3A_186 : i32 to vector<16xi32>
        %parallel_loop3A_188 = arith.addi %parallel_loop3A_182, %parallel_loop3A_187 : vector<16xi32>
        %parallel_loop3A_189 = arith.select %parallel_loop3A_185, %parallel_loop3A_188, %parallel_loop3A_182 : vector<16xi1>, vector<16xi32>
        %parallel_loop3A_190 = vector.shape_cast %parallel_loop3A_189 : vector<16xi32> to vector<16x1xi32>
        %parallel_loop3A_191 = vector.shape_cast %parallel_loop3A_190 : vector<16x1xi32> to vector<16xi32>
        %parallel_loop3A_192 = tpu.dynamic_gather %parallel_loop3A_102[%parallel_loop3A_191] in [0] : vector<16xi32>, vector<16xi32> -> vector<16xi32>
        %parallel_loop3A_193 = arith.addi %parallel_loop3A_192, %iota3A : vector<16xi32>
        %parallel_loop3A_194 = arith.constant 7 : i32
        %parallel_loop3A_195 = vector.broadcast %parallel_loop3A_194 : i32 to vector<16xi32>
        %parallel_loop3A_196 = arith.constant 0 : i32
        %parallel_loop3A_197 = vector.broadcast %parallel_loop3A_196 : i32 to vector<16xi32>
        %parallel_loop3A_198 = arith.cmpi slt, %parallel_loop3A_195, %parallel_loop3A_197 : vector<16xi32>
        %parallel_loop3A_199 = arith.constant 16 : i32
        %parallel_loop3A_200 = vector.broadcast %parallel_loop3A_199 : i32 to vector<16xi32>
        %parallel_loop3A_201 = arith.addi %parallel_loop3A_195, %parallel_loop3A_200 : vector<16xi32>
        %parallel_loop3A_202 = arith.select %parallel_loop3A_198, %parallel_loop3A_201, %parallel_loop3A_195 : vector<16xi1>, vector<16xi32>
        %parallel_loop3A_203 = vector.shape_cast %parallel_loop3A_202 : vector<16xi32> to vector<16x1xi32>
        %parallel_loop3A_204 = vector.shape_cast %parallel_loop3A_203 : vector<16x1xi32> to vector<16xi32>
        %parallel_loop3A_205 = tpu.dynamic_gather %parallel_loop3A_102[%parallel_loop3A_204] in [0] : vector<16xi32>, vector<16xi32> -> vector<16xi32>
        %parallel_loop3A_206 = arith.addi %parallel_loop3A_205, %iota3A : vector<16xi32>
        %parallel_loop3A_207 = arith.constant 8 : i32
        %parallel_loop3A_208 = vector.broadcast %parallel_loop3A_207 : i32 to vector<16xi32>
        %parallel_loop3A_209 = arith.constant 0 : i32
        %parallel_loop3A_210 = vector.broadcast %parallel_loop3A_209 : i32 to vector<16xi32>
        %parallel_loop3A_211 = arith.cmpi slt, %parallel_loop3A_208, %parallel_loop3A_210 : vector<16xi32>
        %parallel_loop3A_212 = arith.constant 16 : i32
        %parallel_loop3A_213 = vector.broadcast %parallel_loop3A_212 : i32 to vector<16xi32>
        %parallel_loop3A_214 = arith.addi %parallel_loop3A_208, %parallel_loop3A_213 : vector<16xi32>
        %parallel_loop3A_215 = arith.select %parallel_loop3A_211, %parallel_loop3A_214, %parallel_loop3A_208 : vector<16xi1>, vector<16xi32>
        %parallel_loop3A_216 = vector.shape_cast %parallel_loop3A_215 : vector<16xi32> to vector<16x1xi32>
        %parallel_loop3A_217 = vector.shape_cast %parallel_loop3A_216 : vector<16x1xi32> to vector<16xi32>
        %parallel_loop3A_218 = tpu.dynamic_gather %parallel_loop3A_102[%parallel_loop3A_217] in [0] : vector<16xi32>, vector<16xi32> -> vector<16xi32>
        %parallel_loop3A_219 = arith.addi %parallel_loop3A_218, %iota3A : vector<16xi32>
        %parallel_loop3A_220 = arith.constant 128 : i32
        %parallel_loop3A_221 = arith.muli %parallel_loop3A_94, %parallel_loop3A_220 : i32
        %parallel_loop3A_222 = arith.constant 0 : i32
        %parallel_loop3A_223 = tpu.memref_slice %arg5[%parallel_loop3A_222] : memref<73792xi32, #tpu.memory_space<vmem>> -> memref<8192xi32, #tpu.memory_space<vmem>>
        %parallel_loop3A_224 = tpu.vector_load_idx %parallel_loop3A_223[%parallel_loop3A_115] : memref<8192xi32, #tpu.memory_space<vmem>>[vector<16xi32>], vector<16xi32>,
        %parallel_loop3A_225 = vector.bitcast %parallel_loop3A_224 : vector<16xi32> to vector<32xbf16>
        %parallel_loop3A_226 = arith.constant 8192 : i32
        %parallel_loop3A_227 = tpu.memref_slice %arg5[%parallel_loop3A_226] : memref<73792xi32, #tpu.memory_space<vmem>> -> memref<8192xi32, #tpu.memory_space<vmem>>
        %parallel_loop3A_228 = tpu.vector_load_idx %parallel_loop3A_227[%parallel_loop3A_128] : memref<8192xi32, #tpu.memory_space<vmem>>[vector<16xi32>], vector<16xi32>,
        %parallel_loop3A_229 = vector.bitcast %parallel_loop3A_228 : vector<16xi32> to vector<32xbf16>
        %parallel_loop3A_230 = arith.constant 16384 : i32
        %parallel_loop3A_231 = tpu.memref_slice %arg5[%parallel_loop3A_230] : memref<73792xi32, #tpu.memory_space<vmem>> -> memref<8192xi32, #tpu.memory_space<vmem>>
        %parallel_loop3A_232 = tpu.vector_load_idx %parallel_loop3A_231[%parallel_loop3A_141] : memref<8192xi32, #tpu.memory_space<vmem>>[vector<16xi32>], vector<16xi32>,
        %parallel_loop3A_233 = vector.bitcast %parallel_loop3A_232 : vector<16xi32> to vector<32xbf16>
        %parallel_loop3A_234 = arith.constant 24576 : i32
        %parallel_loop3A_235 = tpu.memref_slice %arg5[%parallel_loop3A_234] : memref<73792xi32, #tpu.memory_space<vmem>> -> memref<8192xi32, #tpu.memory_space<vmem>>
        %parallel_loop3A_236 = tpu.vector_load_idx %parallel_loop3A_235[%parallel_loop3A_154] : memref<8192xi32, #tpu.memory_space<vmem>>[vector<16xi32>], vector<16xi32>,
        %parallel_loop3A_237 = vector.bitcast %parallel_loop3A_236 : vector<16xi32> to vector<32xbf16>
        %parallel_loop3A_238 = arith.constant 32768 : i32
        %parallel_loop3A_239 = tpu.memref_slice %arg5[%parallel_loop3A_238] : memref<73792xi32, #tpu.memory_space<vmem>> -> memref<8192xi32, #tpu.memory_space<vmem>>
        %parallel_loop3A_240 = tpu.vector_load_idx %parallel_loop3A_239[%parallel_loop3A_167] : memref<8192xi32, #tpu.memory_space<vmem>>[vector<16xi32>], vector<16xi32>,
        %parallel_loop3A_241 = vector.bitcast %parallel_loop3A_240 : vector<16xi32> to vector<32xbf16>
        %parallel_loop3A_242 = arith.constant 40960 : i32
        %parallel_loop3A_243 = tpu.memref_slice %arg5[%parallel_loop3A_242] : memref<73792xi32, #tpu.memory_space<vmem>> -> memref<8192xi32, #tpu.memory_space<vmem>>
        %parallel_loop3A_244 = tpu.vector_load_idx %parallel_loop3A_243[%parallel_loop3A_180] : memref<8192xi32, #tpu.memory_space<vmem>>[vector<16xi32>], vector<16xi32>,
        %parallel_loop3A_245 = vector.bitcast %parallel_loop3A_244 : vector<16xi32> to vector<32xbf16>
        %parallel_loop3A_246 = arith.constant 49152 : i32
        %parallel_loop3A_247 = tpu.memref_slice %arg5[%parallel_loop3A_246] : memref<73792xi32, #tpu.memory_space<vmem>> -> memref<8192xi32, #tpu.memory_space<vmem>>
        %parallel_loop3A_248 = tpu.vector_load_idx %parallel_loop3A_247[%parallel_loop3A_193] : memref<8192xi32, #tpu.memory_space<vmem>>[vector<16xi32>], vector<16xi32>,
        %parallel_loop3A_249 = vector.bitcast %parallel_loop3A_248 : vector<16xi32> to vector<32xbf16>
        %parallel_loop3A_250 = arith.constant 57344 : i32
        %parallel_loop3A_251 = tpu.memref_slice %arg5[%parallel_loop3A_250] : memref<73792xi32, #tpu.memory_space<vmem>> -> memref<8192xi32, #tpu.memory_space<vmem>>
        %parallel_loop3A_252 = tpu.vector_load_idx %parallel_loop3A_251[%parallel_loop3A_206] : memref<8192xi32, #tpu.memory_space<vmem>>[vector<16xi32>], vector<16xi32>,
        %parallel_loop3A_253 = vector.bitcast %parallel_loop3A_252 : vector<16xi32> to vector<32xbf16>
        %parallel_loop3A_254 = arith.constant 65536 : i32
        %parallel_loop3A_255 = tpu.memref_slice %arg5[%parallel_loop3A_254] : memref<73792xi32, #tpu.memory_space<vmem>> -> memref<8192xi32, #tpu.memory_space<vmem>>
        %parallel_loop3A_256 = tpu.vector_load_idx %parallel_loop3A_255[%parallel_loop3A_219] : memref<8192xi32, #tpu.memory_space<vmem>>[vector<16xi32>], vector<16xi32>,
        %parallel_loop3A_257 = vector.bitcast %parallel_loop3A_256 : vector<16xi32> to vector<32xbf16>
        %parallel_loop3A_258 = arith.addf %parallel_loop3A_225, %parallel_loop3A_229 : vector<32xbf16>
        %parallel_loop3A_259 = arith.addf %parallel_loop3A_233, %parallel_loop3A_237 : vector<32xbf16>
        %parallel_loop3A_260 = arith.addf %parallel_loop3A_241, %parallel_loop3A_245 : vector<32xbf16>
        %parallel_loop3A_261 = arith.addf %parallel_loop3A_249, %parallel_loop3A_253 : vector<32xbf16>
        %parallel_loop3A_262 = arith.addf %parallel_loop3A_258, %parallel_loop3A_259 : vector<32xbf16>
        %parallel_loop3A_263 = arith.addf %parallel_loop3A_260, %parallel_loop3A_261 : vector<32xbf16>
        %parallel_loop3A_264 = arith.addf %parallel_loop3A_262, %parallel_loop3A_263 : vector<32xbf16>
        %parallel_loop3A_265 = arith.addf %parallel_loop3A_264, %parallel_loop3A_257 : vector<32xbf16>
        %parallel_loop3A_266 = vector.bitcast %parallel_loop3A_265 : vector<32xbf16> to vector<16xi32>
        %parallel_loop3A_267 = arith.constant 16 : i32
        %parallel_loop3A_268 = vector.broadcast %parallel_loop3A_267 : i32 to vector<16xi32>
        %parallel_loop3A_269 = arith.shli %parallel_loop3A_266, %parallel_loop3A_268 : vector<16xi32>
        %parallel_loop3A_270 = vector.bitcast %parallel_loop3A_269 : vector<16xi32> to vector<16xf32>
        %parallel_loop3A_271 = arith.constant 0.333333343 : f32
        %parallel_loop3A_272 = vector.broadcast %parallel_loop3A_271 : f32 to vector<16xf32>
        %parallel_loop3A_273 = arith.mulf %parallel_loop3A_270, %parallel_loop3A_272 : vector<16xf32>
        %parallel_loop3A_274 = arith.constant -65536 : i32
        %parallel_loop3A_275 = vector.broadcast %parallel_loop3A_274 : i32 to vector<16xi32>
        %parallel_loop3A_276 = arith.andi %parallel_loop3A_266, %parallel_loop3A_275 : vector<16xi32>
        %parallel_loop3A_277 = vector.bitcast %parallel_loop3A_276 : vector<16xi32> to vector<16xf32>
        %parallel_loop3A_278 = arith.constant 0.333333343 : f32
        %parallel_loop3A_279 = vector.broadcast %parallel_loop3A_278 : f32 to vector<16xf32>
        %parallel_loop3A_280 = arith.mulf %parallel_loop3A_277, %parallel_loop3A_279 : vector<16xf32>
        %parallel_loop3A_281 = arith.constant 0 : i32
        %parallel_loop3A_282 = arith.addi %parallel_loop3A_221, %parallel_loop3A_281 : i32
        %parallel_loop3A_283 = tpu.memref_slice %arg7[%mul3A_78] : memref<28672xf32, #tpu.memory_space<vmem>> -> memref<14336xf32, #tpu.memory_space<vmem>>
        %parallel_loop3A_284 = arith.index_cast %parallel_loop3A_282 : i32 to index
        %parallel_loop3A_285 = tpu.vector_load %parallel_loop3A_283[%parallel_loop3A_284] {strides = array<i32>} : memref<14336xf32, #tpu.memory_space<vmem>>, vector<16xf32>,
        tpu.vector_store %parallel_loop3A_283[%parallel_loop3A_284], %parallel_loop3A_273 {strides = array<i32>} : memref<14336xf32, #tpu.memory_space<vmem>>, vector<16xf32>,
        %parallel_loop3A_286 = arith.constant 64 : i32
        %parallel_loop3A_287 = arith.addi %parallel_loop3A_221, %parallel_loop3A_286 : i32
        %parallel_loop3A_288 = arith.constant 0 : i32
        %parallel_loop3A_289 = arith.addi %parallel_loop3A_287, %parallel_loop3A_288 : i32
        %parallel_loop3A_290 = tpu.memref_slice %arg7[%mul3A_78] : memref<28672xf32, #tpu.memory_space<vmem>> -> memref<14336xf32, #tpu.memory_space<vmem>>
        %parallel_loop3A_291 = arith.index_cast %parallel_loop3A_289 : i32 to index
        %parallel_loop3A_292 = tpu.vector_load %parallel_loop3A_290[%parallel_loop3A_291] {strides = array<i32>} : memref<14336xf32, #tpu.memory_space<vmem>>, vector<16xf32>,
        tpu.vector_store %parallel_loop3A_290[%parallel_loop3A_291], %parallel_loop3A_280 {strides = array<i32>} : memref<14336xf32, #tpu.memory_space<vmem>>, vector<16xf32>,
        %parallel_loop3A_293 = arith.constant 16 : i32
        %parallel_loop3A_294 = tpu.memref_slice %arg5[%parallel_loop3A_293] : memref<73792xi32, #tpu.memory_space<vmem>> -> memref<8192xi32, #tpu.memory_space<vmem>>
        %parallel_loop3A_295 = tpu.vector_load_idx %parallel_loop3A_294[%parallel_loop3A_115] : memref<8192xi32, #tpu.memory_space<vmem>>[vector<16xi32>], vector<16xi32>,
        %parallel_loop3A_296 = vector.bitcast %parallel_loop3A_295 : vector<16xi32> to vector<32xbf16>
        %parallel_loop3A_297 = arith.constant 8208 : i32
        %parallel_loop3A_298 = tpu.memref_slice %arg5[%parallel_loop3A_297] : memref<73792xi32, #tpu.memory_space<vmem>> -> memref<8192xi32, #tpu.memory_space<vmem>>
        %parallel_loop3A_299 = tpu.vector_load_idx %parallel_loop3A_298[%parallel_loop3A_128] : memref<8192xi32, #tpu.memory_space<vmem>>[vector<16xi32>], vector<16xi32>,
        %parallel_loop3A_300 = vector.bitcast %parallel_loop3A_299 : vector<16xi32> to vector<32xbf16>
        %parallel_loop3A_301 = arith.constant 16400 : i32
        %parallel_loop3A_302 = tpu.memref_slice %arg5[%parallel_loop3A_301] : memref<73792xi32, #tpu.memory_space<vmem>> -> memref<8192xi32, #tpu.memory_space<vmem>>
        %parallel_loop3A_303 = tpu.vector_load_idx %parallel_loop3A_302[%parallel_loop3A_141] : memref<8192xi32, #tpu.memory_space<vmem>>[vector<16xi32>], vector<16xi32>,
        %parallel_loop3A_304 = vector.bitcast %parallel_loop3A_303 : vector<16xi32> to vector<32xbf16>
        %parallel_loop3A_305 = arith.constant 24592 : i32
        %parallel_loop3A_306 = tpu.memref_slice %arg5[%parallel_loop3A_305] : memref<73792xi32, #tpu.memory_space<vmem>> -> memref<8192xi32, #tpu.memory_space<vmem>>
        %parallel_loop3A_307 = tpu.vector_load_idx %parallel_loop3A_306[%parallel_loop3A_154] : memref<8192xi32, #tpu.memory_space<vmem>>[vector<16xi32>], vector<16xi32>,
        %parallel_loop3A_308 = vector.bitcast %parallel_loop3A_307 : vector<16xi32> to vector<32xbf16>
        %parallel_loop3A_309 = arith.constant 32784 : i32
        %parallel_loop3A_310 = tpu.memref_slice %arg5[%parallel_loop3A_309] : memref<73792xi32, #tpu.memory_space<vmem>> -> memref<8192xi32, #tpu.memory_space<vmem>>
        %parallel_loop3A_311 = tpu.vector_load_idx %parallel_loop3A_310[%parallel_loop3A_167] : memref<8192xi32, #tpu.memory_space<vmem>>[vector<16xi32>], vector<16xi32>,
        %parallel_loop3A_312 = vector.bitcast %parallel_loop3A_311 : vector<16xi32> to vector<32xbf16>
        %parallel_loop3A_313 = arith.constant 40976 : i32
        %parallel_loop3A_314 = tpu.memref_slice %arg5[%parallel_loop3A_313] : memref<73792xi32, #tpu.memory_space<vmem>> -> memref<8192xi32, #tpu.memory_space<vmem>>
        %parallel_loop3A_315 = tpu.vector_load_idx %parallel_loop3A_314[%parallel_loop3A_180] : memref<8192xi32, #tpu.memory_space<vmem>>[vector<16xi32>], vector<16xi32>,
        %parallel_loop3A_316 = vector.bitcast %parallel_loop3A_315 : vector<16xi32> to vector<32xbf16>
        %parallel_loop3A_317 = arith.constant 49168 : i32
        %parallel_loop3A_318 = tpu.memref_slice %arg5[%parallel_loop3A_317] : memref<73792xi32, #tpu.memory_space<vmem>> -> memref<8192xi32, #tpu.memory_space<vmem>>
        %parallel_loop3A_319 = tpu.vector_load_idx %parallel_loop3A_318[%parallel_loop3A_193] : memref<8192xi32, #tpu.memory_space<vmem>>[vector<16xi32>], vector<16xi32>,
        %parallel_loop3A_320 = vector.bitcast %parallel_loop3A_319 : vector<16xi32> to vector<32xbf16>
        %parallel_loop3A_321 = arith.constant 57360 : i32
        %parallel_loop3A_322 = tpu.memref_slice %arg5[%parallel_loop3A_321] : memref<73792xi32, #tpu.memory_space<vmem>> -> memref<8192xi32, #tpu.memory_space<vmem>>
        %parallel_loop3A_323 = tpu.vector_load_idx %parallel_loop3A_322[%parallel_loop3A_206] : memref<8192xi32, #tpu.memory_space<vmem>>[vector<16xi32>], vector<16xi32>,
        %parallel_loop3A_324 = vector.bitcast %parallel_loop3A_323 : vector<16xi32> to vector<32xbf16>
        %parallel_loop3A_325 = arith.constant 65552 : i32
        %parallel_loop3A_326 = tpu.memref_slice %arg5[%parallel_loop3A_325] : memref<73792xi32, #tpu.memory_space<vmem>> -> memref<8192xi32, #tpu.memory_space<vmem>>
        %parallel_loop3A_327 = tpu.vector_load_idx %parallel_loop3A_326[%parallel_loop3A_219] : memref<8192xi32, #tpu.memory_space<vmem>>[vector<16xi32>], vector<16xi32>,
        %parallel_loop3A_328 = vector.bitcast %parallel_loop3A_327 : vector<16xi32> to vector<32xbf16>
        %parallel_loop3A_329 = arith.addf %parallel_loop3A_296, %parallel_loop3A_300 : vector<32xbf16>
        %parallel_loop3A_330 = arith.addf %parallel_loop3A_304, %parallel_loop3A_308 : vector<32xbf16>
        %parallel_loop3A_331 = arith.addf %parallel_loop3A_312, %parallel_loop3A_316 : vector<32xbf16>
        %parallel_loop3A_332 = arith.addf %parallel_loop3A_320, %parallel_loop3A_324 : vector<32xbf16>
        %parallel_loop3A_333 = arith.addf %parallel_loop3A_329, %parallel_loop3A_330 : vector<32xbf16>
        %parallel_loop3A_334 = arith.addf %parallel_loop3A_331, %parallel_loop3A_332 : vector<32xbf16>
        %parallel_loop3A_335 = arith.addf %parallel_loop3A_333, %parallel_loop3A_334 : vector<32xbf16>
        %parallel_loop3A_336 = arith.addf %parallel_loop3A_335, %parallel_loop3A_328 : vector<32xbf16>
        %parallel_loop3A_337 = vector.bitcast %parallel_loop3A_336 : vector<32xbf16> to vector<16xi32>
        %parallel_loop3A_338 = arith.constant 16 : i32
        %parallel_loop3A_339 = vector.broadcast %parallel_loop3A_338 : i32 to vector<16xi32>
        %parallel_loop3A_340 = arith.shli %parallel_loop3A_337, %parallel_loop3A_339 : vector<16xi32>
        %parallel_loop3A_341 = vector.bitcast %parallel_loop3A_340 : vector<16xi32> to vector<16xf32>
        %parallel_loop3A_342 = arith.constant 0.333333343 : f32
        %parallel_loop3A_343 = vector.broadcast %parallel_loop3A_342 : f32 to vector<16xf32>
        %parallel_loop3A_344 = arith.mulf %parallel_loop3A_341, %parallel_loop3A_343 : vector<16xf32>
        %parallel_loop3A_345 = arith.constant -65536 : i32
        %parallel_loop3A_346 = vector.broadcast %parallel_loop3A_345 : i32 to vector<16xi32>
        %parallel_loop3A_347 = arith.andi %parallel_loop3A_337, %parallel_loop3A_346 : vector<16xi32>
        %parallel_loop3A_348 = vector.bitcast %parallel_loop3A_347 : vector<16xi32> to vector<16xf32>
        %parallel_loop3A_349 = arith.constant 0.333333343 : f32
        %parallel_loop3A_350 = vector.broadcast %parallel_loop3A_349 : f32 to vector<16xf32>
        %parallel_loop3A_351 = arith.mulf %parallel_loop3A_348, %parallel_loop3A_350 : vector<16xf32>
        %parallel_loop3A_352 = arith.constant 16 : i32
        %parallel_loop3A_353 = arith.addi %parallel_loop3A_221, %parallel_loop3A_352 : i32
        %parallel_loop3A_354 = tpu.memref_slice %arg7[%mul3A_78] : memref<28672xf32, #tpu.memory_space<vmem>> -> memref<14336xf32, #tpu.memory_space<vmem>>
        %parallel_loop3A_355 = arith.index_cast %parallel_loop3A_353 : i32 to index
        %parallel_loop3A_356 = tpu.vector_load %parallel_loop3A_354[%parallel_loop3A_355] {strides = array<i32>} : memref<14336xf32, #tpu.memory_space<vmem>>, vector<16xf32>,
        tpu.vector_store %parallel_loop3A_354[%parallel_loop3A_355], %parallel_loop3A_344 {strides = array<i32>} : memref<14336xf32, #tpu.memory_space<vmem>>, vector<16xf32>,
        %parallel_loop3A_357 = arith.constant 64 : i32
        %parallel_loop3A_358 = arith.addi %parallel_loop3A_221, %parallel_loop3A_357 : i32
        %parallel_loop3A_359 = arith.constant 16 : i32
        %parallel_loop3A_360 = arith.addi %parallel_loop3A_358, %parallel_loop3A_359 : i32
        %parallel_loop3A_361 = tpu.memref_slice %arg7[%mul3A_78] : memref<28672xf32, #tpu.memory_space<vmem>> -> memref<14336xf32, #tpu.memory_space<vmem>>
        %parallel_loop3A_362 = arith.index_cast %parallel_loop3A_360 : i32 to index
        %parallel_loop3A_363 = tpu.vector_load %parallel_loop3A_361[%parallel_loop3A_362] {strides = array<i32>} : memref<14336xf32, #tpu.memory_space<vmem>>, vector<16xf32>,
        tpu.vector_store %parallel_loop3A_361[%parallel_loop3A_362], %parallel_loop3A_351 {strides = array<i32>} : memref<14336xf32, #tpu.memory_space<vmem>>, vector<16xf32>,
        %parallel_loop3A_364 = arith.constant 32 : i32
        %parallel_loop3A_365 = tpu.memref_slice %arg5[%parallel_loop3A_364] : memref<73792xi32, #tpu.memory_space<vmem>> -> memref<8192xi32, #tpu.memory_space<vmem>>
        %parallel_loop3A_366 = tpu.vector_load_idx %parallel_loop3A_365[%parallel_loop3A_115] : memref<8192xi32, #tpu.memory_space<vmem>>[vector<16xi32>], vector<16xi32>,
        %parallel_loop3A_367 = vector.bitcast %parallel_loop3A_366 : vector<16xi32> to vector<32xbf16>
        %parallel_loop3A_368 = arith.constant 8224 : i32
        %parallel_loop3A_369 = tpu.memref_slice %arg5[%parallel_loop3A_368] : memref<73792xi32, #tpu.memory_space<vmem>> -> memref<8192xi32, #tpu.memory_space<vmem>>
        %parallel_loop3A_370 = tpu.vector_load_idx %parallel_loop3A_369[%parallel_loop3A_128] : memref<8192xi32, #tpu.memory_space<vmem>>[vector<16xi32>], vector<16xi32>,
        %parallel_loop3A_371 = vector.bitcast %parallel_loop3A_370 : vector<16xi32> to vector<32xbf16>
        %parallel_loop3A_372 = arith.constant 16416 : i32
        %parallel_loop3A_373 = tpu.memref_slice %arg5[%parallel_loop3A_372] : memref<73792xi32, #tpu.memory_space<vmem>> -> memref<8192xi32, #tpu.memory_space<vmem>>
        %parallel_loop3A_374 = tpu.vector_load_idx %parallel_loop3A_373[%parallel_loop3A_141] : memref<8192xi32, #tpu.memory_space<vmem>>[vector<16xi32>], vector<16xi32>,
        %parallel_loop3A_375 = vector.bitcast %parallel_loop3A_374 : vector<16xi32> to vector<32xbf16>
        %parallel_loop3A_376 = arith.constant 24608 : i32
        %parallel_loop3A_377 = tpu.memref_slice %arg5[%parallel_loop3A_376] : memref<73792xi32, #tpu.memory_space<vmem>> -> memref<8192xi32, #tpu.memory_space<vmem>>
        %parallel_loop3A_378 = tpu.vector_load_idx %parallel_loop3A_377[%parallel_loop3A_154] : memref<8192xi32, #tpu.memory_space<vmem>>[vector<16xi32>], vector<16xi32>,
        %parallel_loop3A_379 = vector.bitcast %parallel_loop3A_378 : vector<16xi32> to vector<32xbf16>
        %parallel_loop3A_380 = arith.constant 32800 : i32
        %parallel_loop3A_381 = tpu.memref_slice %arg5[%parallel_loop3A_380] : memref<73792xi32, #tpu.memory_space<vmem>> -> memref<8192xi32, #tpu.memory_space<vmem>>
        %parallel_loop3A_382 = tpu.vector_load_idx %parallel_loop3A_381[%parallel_loop3A_167] : memref<8192xi32, #tpu.memory_space<vmem>>[vector<16xi32>], vector<16xi32>,
        %parallel_loop3A_383 = vector.bitcast %parallel_loop3A_382 : vector<16xi32> to vector<32xbf16>
        %parallel_loop3A_384 = arith.constant 40992 : i32
        %parallel_loop3A_385 = tpu.memref_slice %arg5[%parallel_loop3A_384] : memref<73792xi32, #tpu.memory_space<vmem>> -> memref<8192xi32, #tpu.memory_space<vmem>>
        %parallel_loop3A_386 = tpu.vector_load_idx %parallel_loop3A_385[%parallel_loop3A_180] : memref<8192xi32, #tpu.memory_space<vmem>>[vector<16xi32>], vector<16xi32>,
        %parallel_loop3A_387 = vector.bitcast %parallel_loop3A_386 : vector<16xi32> to vector<32xbf16>
        %parallel_loop3A_388 = arith.constant 49184 : i32
        %parallel_loop3A_389 = tpu.memref_slice %arg5[%parallel_loop3A_388] : memref<73792xi32, #tpu.memory_space<vmem>> -> memref<8192xi32, #tpu.memory_space<vmem>>
        %parallel_loop3A_390 = tpu.vector_load_idx %parallel_loop3A_389[%parallel_loop3A_193] : memref<8192xi32, #tpu.memory_space<vmem>>[vector<16xi32>], vector<16xi32>,
        %parallel_loop3A_391 = vector.bitcast %parallel_loop3A_390 : vector<16xi32> to vector<32xbf16>
        %parallel_loop3A_392 = arith.constant 57376 : i32
        %parallel_loop3A_393 = tpu.memref_slice %arg5[%parallel_loop3A_392] : memref<73792xi32, #tpu.memory_space<vmem>> -> memref<8192xi32, #tpu.memory_space<vmem>>
        %parallel_loop3A_394 = tpu.vector_load_idx %parallel_loop3A_393[%parallel_loop3A_206] : memref<8192xi32, #tpu.memory_space<vmem>>[vector<16xi32>], vector<16xi32>,
        %parallel_loop3A_395 = vector.bitcast %parallel_loop3A_394 : vector<16xi32> to vector<32xbf16>
        %parallel_loop3A_396 = arith.constant 65568 : i32
        %parallel_loop3A_397 = tpu.memref_slice %arg5[%parallel_loop3A_396] : memref<73792xi32, #tpu.memory_space<vmem>> -> memref<8192xi32, #tpu.memory_space<vmem>>
        %parallel_loop3A_398 = tpu.vector_load_idx %parallel_loop3A_397[%parallel_loop3A_219] : memref<8192xi32, #tpu.memory_space<vmem>>[vector<16xi32>], vector<16xi32>,
        %parallel_loop3A_399 = vector.bitcast %parallel_loop3A_398 : vector<16xi32> to vector<32xbf16>
        %parallel_loop3A_400 = arith.addf %parallel_loop3A_367, %parallel_loop3A_371 : vector<32xbf16>
        %parallel_loop3A_401 = arith.addf %parallel_loop3A_375, %parallel_loop3A_379 : vector<32xbf16>
        %parallel_loop3A_402 = arith.addf %parallel_loop3A_383, %parallel_loop3A_387 : vector<32xbf16>
        %parallel_loop3A_403 = arith.addf %parallel_loop3A_391, %parallel_loop3A_395 : vector<32xbf16>
        %parallel_loop3A_404 = arith.addf %parallel_loop3A_400, %parallel_loop3A_401 : vector<32xbf16>
        %parallel_loop3A_405 = arith.addf %parallel_loop3A_402, %parallel_loop3A_403 : vector<32xbf16>
        %parallel_loop3A_406 = arith.addf %parallel_loop3A_404, %parallel_loop3A_405 : vector<32xbf16>
        %parallel_loop3A_407 = arith.addf %parallel_loop3A_406, %parallel_loop3A_399 : vector<32xbf16>
        %parallel_loop3A_408 = vector.bitcast %parallel_loop3A_407 : vector<32xbf16> to vector<16xi32>
        %parallel_loop3A_409 = arith.constant 16 : i32
        %parallel_loop3A_410 = vector.broadcast %parallel_loop3A_409 : i32 to vector<16xi32>
        %parallel_loop3A_411 = arith.shli %parallel_loop3A_408, %parallel_loop3A_410 : vector<16xi32>
        %parallel_loop3A_412 = vector.bitcast %parallel_loop3A_411 : vector<16xi32> to vector<16xf32>
        %parallel_loop3A_413 = arith.constant 0.333333343 : f32
        %parallel_loop3A_414 = vector.broadcast %parallel_loop3A_413 : f32 to vector<16xf32>
        %parallel_loop3A_415 = arith.mulf %parallel_loop3A_412, %parallel_loop3A_414 : vector<16xf32>
        %parallel_loop3A_416 = arith.constant -65536 : i32
        %parallel_loop3A_417 = vector.broadcast %parallel_loop3A_416 : i32 to vector<16xi32>
        %parallel_loop3A_418 = arith.andi %parallel_loop3A_408, %parallel_loop3A_417 : vector<16xi32>
        %parallel_loop3A_419 = vector.bitcast %parallel_loop3A_418 : vector<16xi32> to vector<16xf32>
        %parallel_loop3A_420 = arith.constant 0.333333343 : f32
        %parallel_loop3A_421 = vector.broadcast %parallel_loop3A_420 : f32 to vector<16xf32>
        %parallel_loop3A_422 = arith.mulf %parallel_loop3A_419, %parallel_loop3A_421 : vector<16xf32>
        %parallel_loop3A_423 = arith.constant 32 : i32
        %parallel_loop3A_424 = arith.addi %parallel_loop3A_221, %parallel_loop3A_423 : i32
        %parallel_loop3A_425 = tpu.memref_slice %arg7[%mul3A_78] : memref<28672xf32, #tpu.memory_space<vmem>> -> memref<14336xf32, #tpu.memory_space<vmem>>
        %parallel_loop3A_426 = arith.index_cast %parallel_loop3A_424 : i32 to index
        %parallel_loop3A_427 = tpu.vector_load %parallel_loop3A_425[%parallel_loop3A_426] {strides = array<i32>} : memref<14336xf32, #tpu.memory_space<vmem>>, vector<16xf32>,
        tpu.vector_store %parallel_loop3A_425[%parallel_loop3A_426], %parallel_loop3A_415 {strides = array<i32>} : memref<14336xf32, #tpu.memory_space<vmem>>, vector<16xf32>,
        %parallel_loop3A_428 = arith.constant 64 : i32
        %parallel_loop3A_429 = arith.addi %parallel_loop3A_221, %parallel_loop3A_428 : i32
        %parallel_loop3A_430 = arith.constant 32 : i32
        %parallel_loop3A_431 = arith.addi %parallel_loop3A_429, %parallel_loop3A_430 : i32
        %parallel_loop3A_432 = tpu.memref_slice %arg7[%mul3A_78] : memref<28672xf32, #tpu.memory_space<vmem>> -> memref<14336xf32, #tpu.memory_space<vmem>>
        %parallel_loop3A_433 = arith.index_cast %parallel_loop3A_431 : i32 to index
        %parallel_loop3A_434 = tpu.vector_load %parallel_loop3A_432[%parallel_loop3A_433] {strides = array<i32>} : memref<14336xf32, #tpu.memory_space<vmem>>, vector<16xf32>,
        tpu.vector_store %parallel_loop3A_432[%parallel_loop3A_433], %parallel_loop3A_422 {strides = array<i32>} : memref<14336xf32, #tpu.memory_space<vmem>>, vector<16xf32>,
        %parallel_loop3A_435 = arith.constant 48 : i32
        %parallel_loop3A_436 = tpu.memref_slice %arg5[%parallel_loop3A_435] : memref<73792xi32, #tpu.memory_space<vmem>> -> memref<8192xi32, #tpu.memory_space<vmem>>
        %parallel_loop3A_437 = tpu.vector_load_idx %parallel_loop3A_436[%parallel_loop3A_115] : memref<8192xi32, #tpu.memory_space<vmem>>[vector<16xi32>], vector<16xi32>,
        %parallel_loop3A_438 = vector.bitcast %parallel_loop3A_437 : vector<16xi32> to vector<32xbf16>
        %parallel_loop3A_439 = arith.constant 8240 : i32
        %parallel_loop3A_440 = tpu.memref_slice %arg5[%parallel_loop3A_439] : memref<73792xi32, #tpu.memory_space<vmem>> -> memref<8192xi32, #tpu.memory_space<vmem>>
        %parallel_loop3A_441 = tpu.vector_load_idx %parallel_loop3A_440[%parallel_loop3A_128] : memref<8192xi32, #tpu.memory_space<vmem>>[vector<16xi32>], vector<16xi32>,
        %parallel_loop3A_442 = vector.bitcast %parallel_loop3A_441 : vector<16xi32> to vector<32xbf16>
        %parallel_loop3A_443 = arith.constant 16432 : i32
        %parallel_loop3A_444 = tpu.memref_slice %arg5[%parallel_loop3A_443] : memref<73792xi32, #tpu.memory_space<vmem>> -> memref<8192xi32, #tpu.memory_space<vmem>>
        %parallel_loop3A_445 = tpu.vector_load_idx %parallel_loop3A_444[%parallel_loop3A_141] : memref<8192xi32, #tpu.memory_space<vmem>>[vector<16xi32>], vector<16xi32>,
        %parallel_loop3A_446 = vector.bitcast %parallel_loop3A_445 : vector<16xi32> to vector<32xbf16>
        %parallel_loop3A_447 = arith.constant 24624 : i32
        %parallel_loop3A_448 = tpu.memref_slice %arg5[%parallel_loop3A_447] : memref<73792xi32, #tpu.memory_space<vmem>> -> memref<8192xi32, #tpu.memory_space<vmem>>
        %parallel_loop3A_449 = tpu.vector_load_idx %parallel_loop3A_448[%parallel_loop3A_154] : memref<8192xi32, #tpu.memory_space<vmem>>[vector<16xi32>], vector<16xi32>,
        %parallel_loop3A_450 = vector.bitcast %parallel_loop3A_449 : vector<16xi32> to vector<32xbf16>
        %parallel_loop3A_451 = arith.constant 32816 : i32
        %parallel_loop3A_452 = tpu.memref_slice %arg5[%parallel_loop3A_451] : memref<73792xi32, #tpu.memory_space<vmem>> -> memref<8192xi32, #tpu.memory_space<vmem>>
        %parallel_loop3A_453 = tpu.vector_load_idx %parallel_loop3A_452[%parallel_loop3A_167] : memref<8192xi32, #tpu.memory_space<vmem>>[vector<16xi32>], vector<16xi32>,
        %parallel_loop3A_454 = vector.bitcast %parallel_loop3A_453 : vector<16xi32> to vector<32xbf16>
        %parallel_loop3A_455 = arith.constant 41008 : i32
        %parallel_loop3A_456 = tpu.memref_slice %arg5[%parallel_loop3A_455] : memref<73792xi32, #tpu.memory_space<vmem>> -> memref<8192xi32, #tpu.memory_space<vmem>>
        %parallel_loop3A_457 = tpu.vector_load_idx %parallel_loop3A_456[%parallel_loop3A_180] : memref<8192xi32, #tpu.memory_space<vmem>>[vector<16xi32>], vector<16xi32>,
        %parallel_loop3A_458 = vector.bitcast %parallel_loop3A_457 : vector<16xi32> to vector<32xbf16>
        %parallel_loop3A_459 = arith.constant 49200 : i32
        %parallel_loop3A_460 = tpu.memref_slice %arg5[%parallel_loop3A_459] : memref<73792xi32, #tpu.memory_space<vmem>> -> memref<8192xi32, #tpu.memory_space<vmem>>
        %parallel_loop3A_461 = tpu.vector_load_idx %parallel_loop3A_460[%parallel_loop3A_193] : memref<8192xi32, #tpu.memory_space<vmem>>[vector<16xi32>], vector<16xi32>,
        %parallel_loop3A_462 = vector.bitcast %parallel_loop3A_461 : vector<16xi32> to vector<32xbf16>
        %parallel_loop3A_463 = arith.constant 57392 : i32
        %parallel_loop3A_464 = tpu.memref_slice %arg5[%parallel_loop3A_463] : memref<73792xi32, #tpu.memory_space<vmem>> -> memref<8192xi32, #tpu.memory_space<vmem>>
        %parallel_loop3A_465 = tpu.vector_load_idx %parallel_loop3A_464[%parallel_loop3A_206] : memref<8192xi32, #tpu.memory_space<vmem>>[vector<16xi32>], vector<16xi32>,
        %parallel_loop3A_466 = vector.bitcast %parallel_loop3A_465 : vector<16xi32> to vector<32xbf16>
        %parallel_loop3A_467 = arith.constant 65584 : i32
        %parallel_loop3A_468 = tpu.memref_slice %arg5[%parallel_loop3A_467] : memref<73792xi32, #tpu.memory_space<vmem>> -> memref<8192xi32, #tpu.memory_space<vmem>>
        %parallel_loop3A_469 = tpu.vector_load_idx %parallel_loop3A_468[%parallel_loop3A_219] : memref<8192xi32, #tpu.memory_space<vmem>>[vector<16xi32>], vector<16xi32>,
        %parallel_loop3A_470 = vector.bitcast %parallel_loop3A_469 : vector<16xi32> to vector<32xbf16>
        %parallel_loop3A_471 = arith.addf %parallel_loop3A_438, %parallel_loop3A_442 : vector<32xbf16>
        %parallel_loop3A_472 = arith.addf %parallel_loop3A_446, %parallel_loop3A_450 : vector<32xbf16>
        %parallel_loop3A_473 = arith.addf %parallel_loop3A_454, %parallel_loop3A_458 : vector<32xbf16>
        %parallel_loop3A_474 = arith.addf %parallel_loop3A_462, %parallel_loop3A_466 : vector<32xbf16>
        %parallel_loop3A_475 = arith.addf %parallel_loop3A_471, %parallel_loop3A_472 : vector<32xbf16>
        %parallel_loop3A_476 = arith.addf %parallel_loop3A_473, %parallel_loop3A_474 : vector<32xbf16>
        %parallel_loop3A_477 = arith.addf %parallel_loop3A_475, %parallel_loop3A_476 : vector<32xbf16>
        %parallel_loop3A_478 = arith.addf %parallel_loop3A_477, %parallel_loop3A_470 : vector<32xbf16>
        %parallel_loop3A_479 = vector.bitcast %parallel_loop3A_478 : vector<32xbf16> to vector<16xi32>
        %parallel_loop3A_480 = arith.constant 16 : i32
        %parallel_loop3A_481 = vector.broadcast %parallel_loop3A_480 : i32 to vector<16xi32>
        %parallel_loop3A_482 = arith.shli %parallel_loop3A_479, %parallel_loop3A_481 : vector<16xi32>
        %parallel_loop3A_483 = vector.bitcast %parallel_loop3A_482 : vector<16xi32> to vector<16xf32>
        %parallel_loop3A_484 = arith.constant 0.333333343 : f32
        %parallel_loop3A_485 = vector.broadcast %parallel_loop3A_484 : f32 to vector<16xf32>
        %parallel_loop3A_486 = arith.mulf %parallel_loop3A_483, %parallel_loop3A_485 : vector<16xf32>
        %parallel_loop3A_487 = arith.constant -65536 : i32
        %parallel_loop3A_488 = vector.broadcast %parallel_loop3A_487 : i32 to vector<16xi32>
        %parallel_loop3A_489 = arith.andi %parallel_loop3A_479, %parallel_loop3A_488 : vector<16xi32>
        %parallel_loop3A_490 = vector.bitcast %parallel_loop3A_489 : vector<16xi32> to vector<16xf32>
        %parallel_loop3A_491 = arith.constant 0.333333343 : f32
        %parallel_loop3A_492 = vector.broadcast %parallel_loop3A_491 : f32 to vector<16xf32>
        %parallel_loop3A_493 = arith.mulf %parallel_loop3A_490, %parallel_loop3A_492 : vector<16xf32>
        %parallel_loop3A_494 = arith.constant 48 : i32
        %parallel_loop3A_495 = arith.addi %parallel_loop3A_221, %parallel_loop3A_494 : i32
        %parallel_loop3A_496 = tpu.memref_slice %arg7[%mul3A_78] : memref<28672xf32, #tpu.memory_space<vmem>> -> memref<14336xf32, #tpu.memory_space<vmem>>
        %parallel_loop3A_497 = arith.index_cast %parallel_loop3A_495 : i32 to index
        %parallel_loop3A_498 = tpu.vector_load %parallel_loop3A_496[%parallel_loop3A_497] {strides = array<i32>} : memref<14336xf32, #tpu.memory_space<vmem>>, vector<16xf32>,
        tpu.vector_store %parallel_loop3A_496[%parallel_loop3A_497], %parallel_loop3A_486 {strides = array<i32>} : memref<14336xf32, #tpu.memory_space<vmem>>, vector<16xf32>,
        %parallel_loop3A_499 = arith.constant 64 : i32
        %parallel_loop3A_500 = arith.addi %parallel_loop3A_221, %parallel_loop3A_499 : i32
        %parallel_loop3A_501 = arith.constant 48 : i32
        %parallel_loop3A_502 = arith.addi %parallel_loop3A_500, %parallel_loop3A_501 : i32
        %parallel_loop3A_503 = tpu.memref_slice %arg7[%mul3A_78] : memref<28672xf32, #tpu.memory_space<vmem>> -> memref<14336xf32, #tpu.memory_space<vmem>>
        %parallel_loop3A_504 = arith.index_cast %parallel_loop3A_502 : i32 to index
        %parallel_loop3A_505 = tpu.vector_load %parallel_loop3A_503[%parallel_loop3A_504] {strides = array<i32>} : memref<14336xf32, #tpu.memory_space<vmem>>, vector<16xf32>,
        tpu.vector_store %parallel_loop3A_503[%parallel_loop3A_504], %parallel_loop3A_493 {strides = array<i32>} : memref<14336xf32, #tpu.memory_space<vmem>>, vector<16xf32>,
      } {sc.loop_unroll_factor = 4 : i64, sc.parallel_access}
      %mul3A_81 = arith.constant 14336 : i32
      %mul3A_82 = arith.muli %rem3A_53, %mul3A_81 : i32
      %mul3A_83 = arith.constant 112 : i32
      %mul3A_84 = arith.muli %scan3A_51, %mul3A_83 : i32
      %add3A_85 = arith.addi %mul3A_5, %mul3A_84 : i32
      %mul3A_86 = arith.constant 128 : i32
      %mul3A_87 = arith.muli %add3A_85, %mul3A_86 : i32
      %dma_start3A_88 = tpu.memref_slice %arg7[%mul3A_82] : memref<28672xf32, #tpu.memory_space<vmem>> -> memref<14336xf32, #tpu.memory_space<vmem>>
      %dma_start3A_89 = tpu.memref_slice %arg4[%mul3A_87] : memref<7340032xf32, #tpu.memory_space<hbm>> -> memref<14336xf32, #tpu.memory_space<hbm>>
      %dma_start3A_90 = tpu.memref_slice %arg9[%rem3A_53] : memref<2x!tpu.dma_semaphore, #tpu.memory_space<semaphore_mem>> -> memref<1x!tpu.dma_semaphore, #tpu.memory_space<semaphore_mem>>
      %dma_start3A_91 = tpu.memref_squeeze %dma_start3A_90 : memref<1x!tpu.dma_semaphore, #tpu.memory_space<semaphore_mem>> -> memref<!tpu.dma_semaphore, #tpu.memory_space<semaphore_mem>>
      %dma_start3A_92 = tpu.memref_slice %arg4[%mul3A_87] : memref<7340032xf32, #tpu.memory_space<hbm>> -> memref<14336xf32, #tpu.memory_space<hbm>>
      %dma_start3A_93 = tpu.memref_slice %arg7[%mul3A_82] : memref<28672xf32, #tpu.memory_space<vmem>> -> memref<14336xf32, #tpu.memory_space<vmem>>
      tpu.enqueue_dma source(%dma_start3A_93 : memref<14336xf32, #tpu.memory_space<vmem>>) target(%dma_start3A_92 : memref<14336xf32, #tpu.memory_space<hbm>>) target_semaphore(%dma_start3A_91 : memref<!tpu.dma_semaphore, #tpu.memory_space<semaphore_mem>>)
    }
    %scan3A_22 = arith.constant 16 : i32
    %rem3A = arith.constant 14 : i32
    %rem3A_23 = arith.constant 2 : i32
    %rem3A_24 = arith.remsi %rem3A, %rem3A_23 : i32
    %mul3A_25 = arith.constant 14336 : i32
    %mul3A_26 = arith.muli %rem3A_24, %mul3A_25 : i32
    %add3A_27 = arith.constant 1568 : i32
    %add3A_28 = arith.addi %mul3A_5, %add3A_27 : i32
    %mul3A_29 = arith.constant 128 : i32
    %mul3A_30 = arith.muli %add3A_28, %mul3A_29 : i32
    %dma_wait3A = tpu.memref_slice %arg7[%mul3A_26] : memref<28672xf32, #tpu.memory_space<vmem>> -> memref<14336xf32, #tpu.memory_space<vmem>>
    %dma_wait3A_31 = tpu.memref_slice %arg4[%mul3A_30] : memref<7340032xf32, #tpu.memory_space<hbm>> -> memref<14336xf32, #tpu.memory_space<hbm>>
    %dma_wait3A_32 = tpu.memref_slice %arg9[%rem3A_24] : memref<2x!tpu.dma_semaphore, #tpu.memory_space<semaphore_mem>> -> memref<1x!tpu.dma_semaphore, #tpu.memory_space<semaphore_mem>>
    %dma_wait3A_33 = tpu.memref_squeeze %dma_wait3A_32 : memref<1x!tpu.dma_semaphore, #tpu.memory_space<semaphore_mem>> -> memref<!tpu.dma_semaphore, #tpu.memory_space<semaphore_mem>>
    %dma_wait3A_34 = tpu.memref_slice %arg4[%mul3A_30] : memref<7340032xf32, #tpu.memory_space<hbm>> -> memref<14336xf32, #tpu.memory_space<hbm>>
    %dma_wait3A_35 = tpu.memref_slice %arg7[%mul3A_26] : memref<28672xf32, #tpu.memory_space<vmem>> -> memref<14336xf32, #tpu.memory_space<vmem>>
    tpu.wait_dma2 semaphore(%dma_wait3A_33 : memref<!tpu.dma_semaphore, #tpu.memory_space<semaphore_mem>>) src(%dma_wait3A_35 : memref<14336xf32, #tpu.memory_space<vmem>>) dst(%dma_wait3A_34 : memref<14336xf32, #tpu.memory_space<hbm>>)
    %rem3A_36 = arith.constant 15 : i32
    %rem3A_37 = arith.constant 2 : i32
    %rem3A_38 = arith.remsi %rem3A_36, %rem3A_37 : i32
    %mul3A_39 = arith.constant 14336 : i32
    %mul3A_40 = arith.muli %rem3A_38, %mul3A_39 : i32
    %add3A_41 = arith.constant 1680 : i32
    %add3A_42 = arith.addi %mul3A_5, %add3A_41 : i32
    %mul3A_43 = arith.constant 128 : i32
    %mul3A_44 = arith.muli %add3A_42, %mul3A_43 : i32
    %dma_wait3A_45 = tpu.memref_slice %arg7[%mul3A_40] : memref<28672xf32, #tpu.memory_space<vmem>> -> memref<14336xf32, #tpu.memory_space<vmem>>
    %dma_wait3A_46 = tpu.memref_slice %arg4[%mul3A_44] : memref<7340032xf32, #tpu.memory_space<hbm>> -> memref<14336xf32, #tpu.memory_space<hbm>>
    %dma_wait3A_47 = tpu.memref_slice %arg9[%rem3A_38] : memref<2x!tpu.dma_semaphore, #tpu.memory_space<semaphore_mem>> -> memref<1x!tpu.dma_semaphore, #tpu.memory_space<semaphore_mem>>
    %dma_wait3A_48 = tpu.memref_squeeze %dma_wait3A_47 : memref<1x!tpu.dma_semaphore, #tpu.memory_space<semaphore_mem>> -> memref<!tpu.dma_semaphore, #tpu.memory_space<semaphore_mem>>
    %dma_wait3A_49 = tpu.memref_slice %arg4[%mul3A_44] : memref<7340032xf32, #tpu.memory_space<hbm>> -> memref<14336xf32, #tpu.memory_space<hbm>>
    %dma_wait3A_50 = tpu.memref_slice %arg7[%mul3A_40] : memref<28672xf32, #tpu.memory_space<vmem>> -> memref<14336xf32, #tpu.memory_space<vmem>>
    tpu.wait_dma2 semaphore(%dma_wait3A_48 : memref<!tpu.dma_semaphore, #tpu.memory_space<semaphore_mem>>) src(%dma_wait3A_50 : memref<14336xf32, #tpu.memory_space<vmem>>) dst(%dma_wait3A_49 : memref<14336xf32, #tpu.memory_space<hbm>>)
    return
  }
}

module attributes {stable_mosaic.version = 14 : i64} {
  func.func @_tc_body(%arg0: i32, %arg1: memref<512x16xi32, #tpu.memory_space<vmem>>, %arg2: memref<9x128x128xbf16, #tpu.memory_space<vmem>>, %arg3: memref<512x128xf32, #tpu.memory_space<vmem>>) attributes {dimension_semantics = [#tpu.dimension_semantics<arbitrary>], iteration_bounds = array<i64: 84>, scalar_prefetch = 0 : i64, scratch_operands = 0 : i64, tpu.core_type = #tpu.core_type<tc>, window_params = [{transform_indices = @transform_0, window_bounds = array<i64: 512, 16>}, {pipeline_mode = #tpu.pipeline_mode<synchronous>, transform_indices = @transform_1, window_bounds = array<i64: 9, 128, 128>}, {transform_indices = @transform_2, window_bounds = array<i64: 512, 128>}]} {
    %get3A = arith.constant 0 : index
    %get3A_0 = arith.constant 0 : index
    %get3A_1 = vector.load %arg1[%get3A, %get3A_0] : memref<512x16xi32, #tpu.memory_space<vmem>>, vector<512x16xi32>
    %iota3A = tpu.iota {dimensions = array<i32: 1>} : vector<512x128xi32>
    %broadcast_in_dim3A = arith.constant 0.000000e+00 : f32
    %broadcast_in_dim3A_2 = vector.broadcast %broadcast_in_dim3A : f32 to vector<512x128xf32>
    %slice3A = vector.extract_strided_slice %get3A_1 {offsets = [0, 0], sizes = [512, 1], strides = [1, 1]} : vector<512x16xi32> to vector<512x1xi32>
    %eq3A = vector.broadcast %slice3A : vector<512x1xi32> to vector<512x128xi32>
    %eq3A_3 = arith.cmpi eq, %eq3A, %iota3A : vector<512x128xi32>
    %convert_element_type3A = arith.extui %eq3A_3 : vector<512x128xi1> to vector<512x128xi32>
    %convert_element_type3A_4 = arith.sitofp %convert_element_type3A : vector<512x128xi32> to vector<512x128xf32>
    %convert_element_type3A_5 = arith.truncf %convert_element_type3A_4 : vector<512x128xf32> to vector<512x128xbf16>
    %get3A_6 = arith.constant 0 : index
    %get3A_7 = arith.constant 0 : index
    %get3A_8 = arith.constant 0 : index
    %get3A_9 = vector.load %arg2[%get3A_6, %get3A_7, %get3A_8] : memref<9x128x128xbf16, #tpu.memory_space<vmem>>, vector<1x128x128xbf16>
    %get3A_10 = vector.shape_cast %get3A_9 : vector<1x128x128xbf16> to vector<128x128xbf16>
    %dot_general3A = arith.constant dense<0.000000e+00> : vector<512x128xf32>
    %dot_general3A_11 = tpu.matmul %convert_element_type3A_5, %get3A_10, %dot_general3A {dimension_numbers = #tpu.dot_dimension_numbers<[1], [0], [0], [1], [0, 0, 1, 1], [], []>, transpose_lhs_hint = false} : vector<512x128xbf16>, vector<128x128xbf16>, vector<512x128xf32> -> vector<512x128xf32>
    %add3A = arith.addf %broadcast_in_dim3A_2, %dot_general3A_11 : vector<512x128xf32>
    %slice3A_12 = vector.extract_strided_slice %get3A_1 {offsets = [0, 1], sizes = [512, 1], strides = [1, 1]} : vector<512x16xi32> to vector<512x1xi32>
    %eq3A_13 = vector.broadcast %slice3A_12 : vector<512x1xi32> to vector<512x128xi32>
    %eq3A_14 = arith.cmpi eq, %eq3A_13, %iota3A : vector<512x128xi32>
    %convert_element_type3A_15 = arith.extui %eq3A_14 : vector<512x128xi1> to vector<512x128xi32>
    %convert_element_type3A_16 = arith.sitofp %convert_element_type3A_15 : vector<512x128xi32> to vector<512x128xf32>
    %convert_element_type3A_17 = arith.truncf %convert_element_type3A_16 : vector<512x128xf32> to vector<512x128xbf16>
    %get3A_18 = arith.constant 1 : index
    %get3A_19 = arith.constant 0 : index
    %get3A_20 = arith.constant 0 : index
    %get3A_21 = vector.load %arg2[%get3A_18, %get3A_19, %get3A_20] : memref<9x128x128xbf16, #tpu.memory_space<vmem>>, vector<1x128x128xbf16>
    %get3A_22 = vector.shape_cast %get3A_21 : vector<1x128x128xbf16> to vector<128x128xbf16>
    %dot_general3A_23 = arith.constant dense<0.000000e+00> : vector<512x128xf32>
    %dot_general3A_24 = tpu.matmul %convert_element_type3A_17, %get3A_22, %dot_general3A_23 {dimension_numbers = #tpu.dot_dimension_numbers<[1], [0], [0], [1], [0, 0, 1, 1], [], []>, transpose_lhs_hint = false} : vector<512x128xbf16>, vector<128x128xbf16>, vector<512x128xf32> -> vector<512x128xf32>
    %add3A_25 = arith.addf %add3A, %dot_general3A_24 : vector<512x128xf32>
    %slice3A_26 = vector.extract_strided_slice %get3A_1 {offsets = [0, 2], sizes = [512, 1], strides = [1, 1]} : vector<512x16xi32> to vector<512x1xi32>
    %eq3A_27 = vector.broadcast %slice3A_26 : vector<512x1xi32> to vector<512x128xi32>
    %eq3A_28 = arith.cmpi eq, %eq3A_27, %iota3A : vector<512x128xi32>
    %convert_element_type3A_29 = arith.extui %eq3A_28 : vector<512x128xi1> to vector<512x128xi32>
    %convert_element_type3A_30 = arith.sitofp %convert_element_type3A_29 : vector<512x128xi32> to vector<512x128xf32>
    %convert_element_type3A_31 = arith.truncf %convert_element_type3A_30 : vector<512x128xf32> to vector<512x128xbf16>
    %get3A_32 = arith.constant 2 : index
    %get3A_33 = arith.constant 0 : index
    %get3A_34 = arith.constant 0 : index
    %get3A_35 = vector.load %arg2[%get3A_32, %get3A_33, %get3A_34] : memref<9x128x128xbf16, #tpu.memory_space<vmem>>, vector<1x128x128xbf16>
    %get3A_36 = vector.shape_cast %get3A_35 : vector<1x128x128xbf16> to vector<128x128xbf16>
    %dot_general3A_37 = arith.constant dense<0.000000e+00> : vector<512x128xf32>
    %dot_general3A_38 = tpu.matmul %convert_element_type3A_31, %get3A_36, %dot_general3A_37 {dimension_numbers = #tpu.dot_dimension_numbers<[1], [0], [0], [1], [0, 0, 1, 1], [], []>, transpose_lhs_hint = false} : vector<512x128xbf16>, vector<128x128xbf16>, vector<512x128xf32> -> vector<512x128xf32>
    %add3A_39 = arith.addf %add3A_25, %dot_general3A_38 : vector<512x128xf32>
    %slice3A_40 = vector.extract_strided_slice %get3A_1 {offsets = [0, 3], sizes = [512, 1], strides = [1, 1]} : vector<512x16xi32> to vector<512x1xi32>
    %eq3A_41 = vector.broadcast %slice3A_40 : vector<512x1xi32> to vector<512x128xi32>
    %eq3A_42 = arith.cmpi eq, %eq3A_41, %iota3A : vector<512x128xi32>
    %convert_element_type3A_43 = arith.extui %eq3A_42 : vector<512x128xi1> to vector<512x128xi32>
    %convert_element_type3A_44 = arith.sitofp %convert_element_type3A_43 : vector<512x128xi32> to vector<512x128xf32>
    %convert_element_type3A_45 = arith.truncf %convert_element_type3A_44 : vector<512x128xf32> to vector<512x128xbf16>
    %get3A_46 = arith.constant 3 : index
    %get3A_47 = arith.constant 0 : index
    %get3A_48 = arith.constant 0 : index
    %get3A_49 = vector.load %arg2[%get3A_46, %get3A_47, %get3A_48] : memref<9x128x128xbf16, #tpu.memory_space<vmem>>, vector<1x128x128xbf16>
    %get3A_50 = vector.shape_cast %get3A_49 : vector<1x128x128xbf16> to vector<128x128xbf16>
    %dot_general3A_51 = arith.constant dense<0.000000e+00> : vector<512x128xf32>
    %dot_general3A_52 = tpu.matmul %convert_element_type3A_45, %get3A_50, %dot_general3A_51 {dimension_numbers = #tpu.dot_dimension_numbers<[1], [0], [0], [1], [0, 0, 1, 1], [], []>, transpose_lhs_hint = false} : vector<512x128xbf16>, vector<128x128xbf16>, vector<512x128xf32> -> vector<512x128xf32>
    %add3A_53 = arith.addf %add3A_39, %dot_general3A_52 : vector<512x128xf32>
    %slice3A_54 = vector.extract_strided_slice %get3A_1 {offsets = [0, 4], sizes = [512, 1], strides = [1, 1]} : vector<512x16xi32> to vector<512x1xi32>
    %eq3A_55 = vector.broadcast %slice3A_54 : vector<512x1xi32> to vector<512x128xi32>
    %eq3A_56 = arith.cmpi eq, %eq3A_55, %iota3A : vector<512x128xi32>
    %convert_element_type3A_57 = arith.extui %eq3A_56 : vector<512x128xi1> to vector<512x128xi32>
    %convert_element_type3A_58 = arith.sitofp %convert_element_type3A_57 : vector<512x128xi32> to vector<512x128xf32>
    %convert_element_type3A_59 = arith.truncf %convert_element_type3A_58 : vector<512x128xf32> to vector<512x128xbf16>
    %get3A_60 = arith.constant 4 : index
    %get3A_61 = arith.constant 0 : index
    %get3A_62 = arith.constant 0 : index
    %get3A_63 = vector.load %arg2[%get3A_60, %get3A_61, %get3A_62] : memref<9x128x128xbf16, #tpu.memory_space<vmem>>, vector<1x128x128xbf16>
    %get3A_64 = vector.shape_cast %get3A_63 : vector<1x128x128xbf16> to vector<128x128xbf16>
    %dot_general3A_65 = arith.constant dense<0.000000e+00> : vector<512x128xf32>
    %dot_general3A_66 = tpu.matmul %convert_element_type3A_59, %get3A_64, %dot_general3A_65 {dimension_numbers = #tpu.dot_dimension_numbers<[1], [0], [0], [1], [0, 0, 1, 1], [], []>, transpose_lhs_hint = false} : vector<512x128xbf16>, vector<128x128xbf16>, vector<512x128xf32> -> vector<512x128xf32>
    %add3A_67 = arith.addf %add3A_53, %dot_general3A_66 : vector<512x128xf32>
    %slice3A_68 = vector.extract_strided_slice %get3A_1 {offsets = [0, 5], sizes = [512, 1], strides = [1, 1]} : vector<512x16xi32> to vector<512x1xi32>
    %eq3A_69 = vector.broadcast %slice3A_68 : vector<512x1xi32> to vector<512x128xi32>
    %eq3A_70 = arith.cmpi eq, %eq3A_69, %iota3A : vector<512x128xi32>
    %convert_element_type3A_71 = arith.extui %eq3A_70 : vector<512x128xi1> to vector<512x128xi32>
    %convert_element_type3A_72 = arith.sitofp %convert_element_type3A_71 : vector<512x128xi32> to vector<512x128xf32>
    %convert_element_type3A_73 = arith.truncf %convert_element_type3A_72 : vector<512x128xf32> to vector<512x128xbf16>
    %get3A_74 = arith.constant 5 : index
    %get3A_75 = arith.constant 0 : index
    %get3A_76 = arith.constant 0 : index
    %get3A_77 = vector.load %arg2[%get3A_74, %get3A_75, %get3A_76] : memref<9x128x128xbf16, #tpu.memory_space<vmem>>, vector<1x128x128xbf16>
    %get3A_78 = vector.shape_cast %get3A_77 : vector<1x128x128xbf16> to vector<128x128xbf16>
    %dot_general3A_79 = arith.constant dense<0.000000e+00> : vector<512x128xf32>
    %dot_general3A_80 = tpu.matmul %convert_element_type3A_73, %get3A_78, %dot_general3A_79 {dimension_numbers = #tpu.dot_dimension_numbers<[1], [0], [0], [1], [0, 0, 1, 1], [], []>, transpose_lhs_hint = false} : vector<512x128xbf16>, vector<128x128xbf16>, vector<512x128xf32> -> vector<512x128xf32>
    %add3A_81 = arith.addf %add3A_67, %dot_general3A_80 : vector<512x128xf32>
    %slice3A_82 = vector.extract_strided_slice %get3A_1 {offsets = [0, 6], sizes = [512, 1], strides = [1, 1]} : vector<512x16xi32> to vector<512x1xi32>
    %eq3A_83 = vector.broadcast %slice3A_82 : vector<512x1xi32> to vector<512x128xi32>
    %eq3A_84 = arith.cmpi eq, %eq3A_83, %iota3A : vector<512x128xi32>
    %convert_element_type3A_85 = arith.extui %eq3A_84 : vector<512x128xi1> to vector<512x128xi32>
    %convert_element_type3A_86 = arith.sitofp %convert_element_type3A_85 : vector<512x128xi32> to vector<512x128xf32>
    %convert_element_type3A_87 = arith.truncf %convert_element_type3A_86 : vector<512x128xf32> to vector<512x128xbf16>
    %get3A_88 = arith.constant 6 : index
    %get3A_89 = arith.constant 0 : index
    %get3A_90 = arith.constant 0 : index
    %get3A_91 = vector.load %arg2[%get3A_88, %get3A_89, %get3A_90] : memref<9x128x128xbf16, #tpu.memory_space<vmem>>, vector<1x128x128xbf16>
    %get3A_92 = vector.shape_cast %get3A_91 : vector<1x128x128xbf16> to vector<128x128xbf16>
    %dot_general3A_93 = arith.constant dense<0.000000e+00> : vector<512x128xf32>
    %dot_general3A_94 = tpu.matmul %convert_element_type3A_87, %get3A_92, %dot_general3A_93 {dimension_numbers = #tpu.dot_dimension_numbers<[1], [0], [0], [1], [0, 0, 1, 1], [], []>, transpose_lhs_hint = false} : vector<512x128xbf16>, vector<128x128xbf16>, vector<512x128xf32> -> vector<512x128xf32>
    %add3A_95 = arith.addf %add3A_81, %dot_general3A_94 : vector<512x128xf32>
    %slice3A_96 = vector.extract_strided_slice %get3A_1 {offsets = [0, 7], sizes = [512, 1], strides = [1, 1]} : vector<512x16xi32> to vector<512x1xi32>
    %eq3A_97 = vector.broadcast %slice3A_96 : vector<512x1xi32> to vector<512x128xi32>
    %eq3A_98 = arith.cmpi eq, %eq3A_97, %iota3A : vector<512x128xi32>
    %convert_element_type3A_99 = arith.extui %eq3A_98 : vector<512x128xi1> to vector<512x128xi32>
    %convert_element_type3A_100 = arith.sitofp %convert_element_type3A_99 : vector<512x128xi32> to vector<512x128xf32>
    %convert_element_type3A_101 = arith.truncf %convert_element_type3A_100 : vector<512x128xf32> to vector<512x128xbf16>
    %get3A_102 = arith.constant 7 : index
    %get3A_103 = arith.constant 0 : index
    %get3A_104 = arith.constant 0 : index
    %get3A_105 = vector.load %arg2[%get3A_102, %get3A_103, %get3A_104] : memref<9x128x128xbf16, #tpu.memory_space<vmem>>, vector<1x128x128xbf16>
    %get3A_106 = vector.shape_cast %get3A_105 : vector<1x128x128xbf16> to vector<128x128xbf16>
    %dot_general3A_107 = arith.constant dense<0.000000e+00> : vector<512x128xf32>
    %dot_general3A_108 = tpu.matmul %convert_element_type3A_101, %get3A_106, %dot_general3A_107 {dimension_numbers = #tpu.dot_dimension_numbers<[1], [0], [0], [1], [0, 0, 1, 1], [], []>, transpose_lhs_hint = false} : vector<512x128xbf16>, vector<128x128xbf16>, vector<512x128xf32> -> vector<512x128xf32>
    %add3A_109 = arith.addf %add3A_95, %dot_general3A_108 : vector<512x128xf32>
    %slice3A_110 = vector.extract_strided_slice %get3A_1 {offsets = [0, 8], sizes = [512, 1], strides = [1, 1]} : vector<512x16xi32> to vector<512x1xi32>
    %eq3A_111 = vector.broadcast %slice3A_110 : vector<512x1xi32> to vector<512x128xi32>
    %eq3A_112 = arith.cmpi eq, %eq3A_111, %iota3A : vector<512x128xi32>
    %convert_element_type3A_113 = arith.extui %eq3A_112 : vector<512x128xi1> to vector<512x128xi32>
    %convert_element_type3A_114 = arith.sitofp %convert_element_type3A_113 : vector<512x128xi32> to vector<512x128xf32>
    %convert_element_type3A_115 = arith.truncf %convert_element_type3A_114 : vector<512x128xf32> to vector<512x128xbf16>
    %get3A_116 = arith.constant 8 : index
    %get3A_117 = arith.constant 0 : index
    %get3A_118 = arith.constant 0 : index
    %get3A_119 = vector.load %arg2[%get3A_116, %get3A_117, %get3A_118] : memref<9x128x128xbf16, #tpu.memory_space<vmem>>, vector<1x128x128xbf16>
    %get3A_120 = vector.shape_cast %get3A_119 : vector<1x128x128xbf16> to vector<128x128xbf16>
    %dot_general3A_121 = arith.constant dense<0.000000e+00> : vector<512x128xf32>
    %dot_general3A_122 = tpu.matmul %convert_element_type3A_115, %get3A_120, %dot_general3A_121 {dimension_numbers = #tpu.dot_dimension_numbers<[1], [0], [0], [1], [0, 0, 1, 1], [], []>, transpose_lhs_hint = false} : vector<512x128xbf16>, vector<128x128xbf16>, vector<512x128xf32> -> vector<512x128xf32>
    %add3A_123 = arith.addf %add3A_109, %dot_general3A_122 : vector<512x128xf32>
    %mul3A = arith.constant 0.333333343 : f32
    %mul3A_124 = vector.broadcast %mul3A : f32 to vector<512x128xf32>
    %mul3A_125 = arith.mulf %add3A_123, %mul3A_124 : vector<512x128xf32>
    %swap3A = arith.constant 0 : index
    %swap3A_126 = arith.constant 0 : index
    %swap3A_127 = vector.load %arg3[%swap3A, %swap3A_126] : memref<512x128xf32, #tpu.memory_space<vmem>>, vector<512x128xf32>
    tpu.vector_store %arg3[%swap3A, %swap3A_126], %mul3A_125 {strides = array<i32>} : memref<512x128xf32, #tpu.memory_space<vmem>>, vector<512x128xf32>,
    return
  }
  func.func @transform_0(%arg0: i32) -> (i32, i32) {
    %add3A = arith.constant 112 : i32
    %add3A_0 = arith.addi %arg0, %add3A : i32
    %c0_i32 = arith.constant 0 : i32
    %c0_i32_1 = arith.constant 0 : i32
    return %add3A_0, %c0_i32 : i32, i32
  }
  func.func @transform_1(%arg0: i32) -> (i32, i32, i32) {
    %c0_i32 = arith.constant 0 : i32
    %c0_i32_0 = arith.constant 0 : i32
    %c0_i32_1 = arith.constant 0 : i32
    %c0_i32_2 = arith.constant 0 : i32
    return %c0_i32, %c0_i32_0, %c0_i32_1 : i32, i32, i32
  }
  func.func @transform_2(%arg0: i32) -> (i32, i32) {
    %c0_i32 = arith.constant 0 : i32
    %c0_i32_0 = arith.constant 0 : i32
    return %arg0, %c0_i32 : i32, i32
  }
}

</mosaic_0001>

<sc_bundles>
// kernel: kernel.4.cloned.1.call-start
scs
__scs_entry_jumppad:
0x0: {  	(pc) =	sbr.rel $0x88, $3  }
0x1: {  	(tag) =	ssettag $0x0;
	lr =	simm.s32 $0x1  }
0x2: {  	[smem:$0x3F9F] =	sst lr;
	_ =	strace $0xD0000000  }
0x3: {  	_ = 	snop  }
0x4: {  	_ = 	snop  }
0x5: {  	_ = 	snop  }
0x6: {  	_ = 	snop  }
0x7: {  	_ = 	snop  }
__scs_overlays_trampoline_lowered:
0x8: {  	[smem:$0x3FAE] =	sst s0  }
0x9: {  	[smem:$0x3FAF] =	sst s1  }
0xa: {  	[smem:$0x3FB0] =	sst s2  }
0xb: {  	[smem:$0x3FB1] =	sst s3  }
0xc: {  	[smem:$0x3FB2] =	sst s4  }
0xd: {  	[smem:$0x3FB3] =	sst s5  }
0xe: {  	[smem:$0x3FB4] =	sst s6  }
0xf: {  	[smem:$0x3FB5] =	sst s7  }
0x10: {  	[smem:$0x3FB6] =	sst s8  }
0x11: {  	[smem:$0x3FB7] =	sst s9;
	s0 =	simm.s32 @!p0 $0x0  }
0x12: {  	s1 =	sld [smem:$0x3F9D];
	s0 =	simm.s32 @p0 $0x1  }
0x13: {  	[smem:$0x3FB8] =	sst s0;
	s0 =	simm.s32 @!p1 $0x0  }
0x14: {  	s2 =	sld [smem:$0x3F9C];
	s0 =	simm.s32 @p1 $0x1  }
0x15: {  	[smem:$0x3FB9] =	sst s0;
	s0 =	simm.s32 @!p2 $0x0  }
0x16: {  	s3 =	sld [smem:$0x3FDB];
	s0 =	simm.s32 @p2 $0x1  }
0x17: {  	s4 =	simm.s32 $0x1BF5;
	[smem:$0x3FBB] =	sst s0  }
0x18: {  	s0 =	sld [smem:$0x3F9E];
	_ =	swait.ge [sflag:s4], $0x0  }
0x19: {  	s7 =	sld [smem:$0x3F9F]  }
0x1a: {  	s8 =	sadd.s32 $0xFFFFE003, lr  }
0x1b: {  	s9 =	sadd.s32 $0xFFFFFEF7, lr;
	s5 =	simm.s32 $0xFFFFFFFF;
	p2 =	slt.u32 s8, $0xFFFFF086  }
0x1c: {  	p1 =	slt.u32 s9, $0xF7A;
	s5 =	simm.s32 @!p2 $0x0  }
0x1d: {  	s5 =	simm.s32 @p1 $0x1;
	p0 =	seq.s32 s7, s2  }
0x1e: {  	s7 =	smul.u32 @!p0 $0xF7A, s2;
	p2 =	seq.s32 @!p0 s5, $0x0  }
0x1f: {  	s9 =	smul.u32 $0xF7A, s1;
	s8 =	simm.s32 @!p0 $0x1BF5;
	p2 =	por !p2, p0  }
0x20: {  	[sflag:s8] =	ssyncset.s32 @!p0 $0xFFFFF086;
	s6 =	sadd.s32 @!p0 s3, s7;
	s7 =	simm.s32 @!p0 $0x108  }
0x21: {  	s3 =	sadd.s32 s3, s9;
	s6 =	sadd.s32 @!p0 $0x88, s6;
	s7 =	simm.s32 @p2 $0x1082  }
0x22: {  	[simem:s7], [sflag:s8] =	dma.local @!p0 [hbm:s6], $0xF7A  }
0x23: {  	s9 =	sor.u32 $0xD0000000, s2;
	s6 =	simm.s32 $0x108;
	_ =	swait.ge @!p0 [sflag:s8], $0x0  }
0x24: {  	s3 =	sadd.s32 $0x88, s3;
	s6 =	simm.s32 @!p1 $0x1082;
	[sflag:s4] =	ssyncset.s32 $0xFFFFF086  }
0x25: {  	[simem:s6], [sflag:s4] =	dma.local [hbm:s3], $0xF7A  }
0x26: {  	[smem:$0x3F9F] =	sst s1;
	(tag) =	ssettag s2;
	_ =	strace s9  }
0x27: {  	s1 =	sld [smem:$0x3FAF]  }
0x28: {  	s2 =	sld [smem:$0x3FB0]  }
0x29: {  	s4 =	sld [smem:$0x3FB2]  }
0x2a: {  	p0 =	seq.s32 s5, $0x0;
	s5 =	sld [smem:$0x3FB3]  }
0x2b: {  	s6 =	sld [smem:$0x3FB4]  }
0x2c: {  	s7 =	sld [smem:$0x3FB5]  }
0x2d: {  	s3 =	simm.s32 $0x108;
	s8 =	sld [smem:$0x3FB6]  }
0x2e: {  	s3 =	simm.s32 @!p0 $0x1082;
	s9 =	sld [smem:$0x3FB7]  }
0x2f: {  	lr =	sadd.s32 s0, s3;
	s0 =	sld [smem:$0x3FAE]  }
0x30: {  	s3 =	sld [smem:$0x3FB1]  }
0x31: {  	[smem:$0x3FBA] =	sst s10  }
0x32: {  	s10 =	sld [smem:$0x3FB8];
	_ =	sdelay $0x3  }
0x33: {  	p0 =	seq.s32 s10, $0x1;
	s10 =	sld [smem:$0x3FBA];
	_ =	sdelay $0x3  }
0x34: {  	[smem:$0x3FBA] =	sst s10  }
0x35: {  	s10 =	sld [smem:$0x3FB9];
	_ =	sdelay $0x3  }
0x36: {  	p1 =	seq.s32 s10, $0x1;
	s10 =	sld [smem:$0x3FBA];
	_ =	sdelay $0x3  }
0x37: {  	[smem:$0x3FBA] =	sst s10  }
0x38: {  	s10 =	sld [smem:$0x3FBB]  }
0x39: {  	_ = 	snop;
	(pc) =	sbr.ind lr, $3  }
0x3a: {  	_ = 	snop  }
0x3b: {  	_ = 	snop  }
0x3c: {  	p2 =	seq.s32 s10, $0x1;
	s10 =	sld [smem:$0x3FBA]  }
0x3d: {  	_ =	shalt  }
0x3e: {  	_ =	shalt  }
0x3f: {  	_ =	shalt  }
0x40: {  	_ =	shalt  }
0x41: {  	_ =	shalt  }
0x42: {  	_ =	shalt  }
0x43: {  	_ =	shalt  }
0x44: {  	_ =	shalt  }
0x45: {  	_ =	shalt  }
0x46: {  	_ =	shalt  }
0x47: {  	_ =	shalt  }
0x48: {  	_ =	shalt  }
0x49: {  	_ =	shalt  }
0x4a: {  	_ =	shalt  }
0x4b: {  	_ =	shalt  }
0x4c: {  	_ =	shalt  }
0x4d: {  	_ =	shalt  }
0x4e: {  	_ =	shalt  }
0x4f: {  	_ =	shalt  }
0x50: {  	_ =	shalt  }
0x51: {  	_ =	shalt  }
0x52: {  	_ =	shalt  }
0x53: {  	_ =	shalt  }
0x54: {  	_ =	shalt  }
0x55: {  	_ =	shalt  }
0x56: {  	_ =	shalt  }
0x57: {  	_ =	shalt  }
0x58: {  	_ =	shalt  }
0x59: {  	_ =	shalt  }
0x5a: {  	_ =	shalt  }
0x5b: {  	_ =	shalt  }
0x5c: {  	_ =	shalt  }
0x5d: {  	_ =	shalt  }
0x5e: {  	_ =	shalt  }
0x5f: {  	_ =	shalt  }
0x60: {  	_ =	shalt  }
0x61: {  	_ =	shalt  }
0x62: {  	_ =	shalt  }
0x63: {  	_ =	shalt  }
0x64: {  	_ =	shalt  }
0x65: {  	_ =	shalt  }
0x66: {  	_ =	shalt  }
0x67: {  	_ =	shalt  }
0x68: {  	_ =	shalt  }
0x69: {  	_ =	shalt  }
0x6a: {  	_ =	shalt  }
0x6b: {  	_ =	shalt  }
0x6c: {  	_ =	shalt  }
0x6d: {  	_ =	shalt  }
0x6e: {  	_ =	shalt  }
0x6f: {  	_ =	shalt  }
0x70: {  	_ =	shalt  }
0x71: {  	_ =	shalt  }
0x72: {  	_ =	shalt  }
0x73: {  	_ =	shalt  }
0x74: {  	_ =	shalt  }
0x75: {  	_ =	shalt  }
0x76: {  	_ =	shalt  }
0x77: {  	_ =	shalt  }
0x78: {  	_ =	shalt  }
0x79: {  	_ =	shalt  }
0x7a: {  	_ =	shalt  }
0x7b: {  	_ =	shalt  }
0x7c: {  	_ =	shalt  }
0x7d: {  	_ =	shalt  }
0x7e: {  	_ =	shalt  }
0x7f: {  	_ =	shalt  }
0x80: {  	_ =	shalt  }
0x81: {  	_ =	shalt  }
0x82: {  	_ =	shalt  }
0x83: {  	_ =	shalt  }
0x84: {  	_ =	shalt  }
0x85: {  	_ =	shalt  }
0x86: {  	_ =	shalt  }
0x87: {  	_ =	shalt  }
.Lfunc_end0:
.L_simem_size_0:
called_computation_lowered:
.L_overlay_start_0:
0x88: {  	s2 =	sld [smem:$0x3FD9]  }
0x89: {  	s3 =	sld [smem:$0x3FFE];
	_ =	sdelay $0x1  }
0x8a: {  	s1 =	srdreg.scid  }
0x8b: {  	s0 =	sand.u32 $0x1, s1  }
0x8c: {  	s17 =	sshll.u32 s0, $0xA;
	s2 =	sadd.s32 s3, s2  }
0x8d: {  	s2 =	sadd.s32 s2, s17  }
0x8e: {  	[smem:$0x3FC6] =	sst s2  }
0x8f: {  	_ = 	snop  }
0x90: {  	s2 =	sld [smem:$0x3FD0];
	(tm) =	ssettm $0x1  }
0x91: {  	s18 =	sld [smem:$0x3FFB];
	_ =	sdelay $0x3  }
0x92: {  	_ =	strace s18  }
0x93: {  	s3 =	sld [smem:$0x3FFC];
	_ =	sdelay $0x3  }
0x94: {  	_ =	strace s3  }
0x95: {  	s3 =	sld [smem:$0x3FFD];
	_ =	sdelay $0x3  }
0x96: {  	_ =	strace s3  }
0x97: {  	_ =	strace $0x8FFFFFFF  }
0x98: {  	s19 =	sld [smem:$0x3FDB];
	_ =	sdelay $0x1  }
0x99: {  	s4 =	simm.s32 $_scs_section_size  }
0x9a: {  	s5 =	simm.s32 $_size__tile_overlayer_lowered;
	s6 =	simm.s32 $_tile_overlayer_lowered  }
0x9b: {  	s22 =	simm.s32 $0x1BFF;
	s21 =	sshll.u32 s6, $0x1;
	s3 =	sadd.s32 s4, s19  }
0x9c: {  	s7 =	simm.s32 $0x0;
	s20 =	sshll.u32 s5, $0x1;
	s5 =	sadd.s32 s21, s3  }
0x9d: {  	[timem:s7], [sflag:s22] =	dma.local [hbm:s5], s20  }
0x9e: {  	_ =	swait.ge [sflag:s22], s20  }
0x9f: {  	s4 =	ssub.s32 $0x0, s20;
	[sflag:s22] =	ssyncset.done $0x0  }
0xa0: {  	[sflag:s22] =	ssyncadd.s32 s4;
	_ =	sdelay $0x1  }
0xa1: {  	s23 =	simm.s32 $0x1B8B  }
0xa2: {  	_ =	swait.ge [sflag:s23], $0x1  }
0xa3: {  	[sflag:s23] =	ssyncset.done $0x0  }
0xa4: {  	s25 =	simm.s32 $0x1B8E;
	s24 =	sld [smem:$0x3FFE];
	[sflag:s23] =	ssyncadd.s32 $0xFFFFFFFF  }
0xa5: {  	s26 =	simm.s32 $execute0_lowered;
	[smem:$0x3FD2] =	sst s25  }
0xa6: {  	s5 =	sshll.u32 s26, $0x1;
	_ =	strace $0x80000046;
	[dreg:$0x1] =	wrdreg $0xFFFFFFFF  }
0xa7: {  	s28 =	simm.s32 $_size_execute0_lowered;
	s3 =	sadd.s32 s3, s5;
	[dreg:$0x0] =	wrdreg $0x0  }
0xa8: {  	s5 =	sshll.u32 s28, $0x1;
	[dreg:$0x2] =	wrdreg s3  }
0xa9: {  	[dreg:$0x3] =	wrdreg s5  }
0xaa: {  	[dreg:$0x4] =	wrdreg $0xC0  }
0xab: {  	_ =	task [dreg:s7], $0x5FFFF  }
0xac: {  	[dreg:$0x1] =	wrdreg $0xFFFFFFFF  }
0xad: {  	[dreg:$0x0] =	wrdreg $0x60  }
0xae: {  	[dreg:$0x2] =	wrdreg s2  }
0xaf: {  	[dreg:$0x3] =	wrdreg s24  }
0xb0: {  	[dreg:$0x4] =	wrdreg $0x9  }
0xb1: {  	_ =	task.clear_ibuf [dreg:s7], $0x5FFFF;
	_ =	strace $0x90000046  }
0xb2: {  	s29 =	simm.s32 $0x9;
	_ =	strace $0x80000048  }
0xb3: {  	_ =	swait.ge [sflag:s29], $0x1  }
0xb4: {  	[sflag:s29] =	ssyncadd.s32 $0xFFFFFFFF  }
0xb5: {  	_ =	strace $0x90000048  }
0xb6: {  	_ =	sfence  }
0xb7: {  	s30 =	sld [smem:$0x0];
	_ =	sdelay $0x2  }
0xb8: {  	s31 =	sshll.u32 s1, $0xD;
	s1 =	sshrl.u32 s1, $0x2  }
0xb9: {  	s3 =	sand.u32 $0x4000, s31;
	s1 =	sadd.s32 s1, s30  }
0xba: {  	s0 =	sor.u32 s3, s0;
	s1 =	sshll.u32 s1, $0x11  }
0xbb: {  	s0 =	sor.u32 s1, s0  }
0xbc: {  	s0 =	sadd.s32 $0x8F2B, s0  }
0xbd: {  	[sflag:s0] =	ssyncadd.remote.s32 $0x1  }
0xbe: {  	_ =	sfence.sel $0xFFFF  }
0xbf: {  	[dreg:$0x0] =	wrdreg $0xFFFFFFFF;
	(pc) =	sbr.abs _section_cstart, $3  }
0xc0: {  	[dreg:$0x1] =	wrdreg $0xFFFFFFFF  }
0xc1: {  	_ =	task.clear_ibuf [dreg:s7], $0x2FFFF;
	_ =	strace $0x9FFFFFFF  }
0xc2: {  	(tm) =	ssettm $0x7FFFFFFF  }
0xc3: {  	_ =	shalt  }
tec
execute0_lowered:
.L_overlay_start_1:
0x0: {  	(tag) =	ssettag $0x1  }
0x1: {  	s5 =	rddreg [dreg:$0x0]  }
0x2: {  	s0 =	rddreg [dreg:$0x1];
	s19 =	simm.s32 $0x0  }
0x3: {  	s1 =	srdreg.scid;
	s2 =	stileid.u32;
	s20 =	simm.s32 $0x2000  }
0x4: {  	s12 =	simm.s32 $0x4000;
	s22 =	simm.s32 $0x6000;
	s28 =	simm.s32 $0x10000  }
0x5: {  	s29 =	simm.s32 $0x10;
	s30 =	simm.s32 $0x2010;
	s31 =	simm.s32 $0x4010  }
0x6: {  	s10 =	simm.s32 $0xA010;
	s7 =	simm.s32 $0xE010;
	s8 =	simm.s32 $0x10010  }
0x7: {  	s9 =	simm.s32 $0x20;
	s6 =	simm.s32 $0x6020;
	s11 =	simm.s32 $0xA020  }
0x8: {  	s17 =	simm.s32 $0x0;
	[smem:$0x7FF] =	sst s19;
	s1 =	sand.u32 $0x1, s1  }
0x9: {  	s2 =	sshll.u32 s2, $0x1;
	s23 =	sadd.s32 $0x188400, s0;
	s0 =	sadd.s32 $0x18AA00, s0  }
0xa: {  	_ =	strace $0x80000047;
	s3 =	ssub.s32 $0x2, s1;
	[dreg:$0x3] =	wrdreg s23  }
0xb: {  	s1 =	sor.u32 s1, s2;
	[dreg:$0x4] =	wrdreg s0;
	s23 =	simm.s32 $0x8000  }
0xc: {  	s2 =	simm.s32 $0x8010;
	s24 =	sshrl.u32 s3, $0x1;
	s4 =	smul.u32 $0xE00, s1  }
0xd: {  	s18 =	smul.u32 $0x700, s1;
	s1 =	simm.s32 $0x2020;
	s25 =	ssub.s32 s3, s24  }
0xe: {  	s24 =	simm.s32 $0xA000;
	s3 =	simm.s32 $0x8020;
	s26 =	sadd.s32 s5, s4  }
0xf: {  	v4 =	vimm.s32 $0x6;
	v2 =	vlaneseq.u32;
	v5 =	vimm.s32 $0x2;
	s0 =	smax.u32 s25, $0x1;
	s25 =	simm.s32 $0xC000;
	[dreg:$0x5] =	wrdreg s18  }
0x10: {  	v6 =	vimm.s32 $0x3;
	v7 =	vimm.s32 $0x4;
	v12 =	vimm.s32 $0x5;
	s4 =	simm.s32 $0xC010;
	s5 =	simm.s32 $0x4020;
	[dreg:$0x6] =	wrdreg s26  }
0x11: {  	v13 =	vimm.s32 $0x7;
	v19 =	vimm.s32 $0x8;
	v60 =	vlaneseq.u32;
	[dreg:$0x7] =	wrdreg s0;
	s26 =	simm.s32 $0xE000;
	s0 =	simm.s32 $0x6010  }
.LBB2_1:
0x12: {  	[dreg:$0x8] =	wrdreg s17  }
0x13: {  	s15 =	rddreg [dreg:$0x3];
	s17 =	simm.s32 $0x5  }
0x14: {  	[tilespmem:s19], [sflag:$0x5] =	stream.linear.gather [hbm4b:s15+s19], $0x12080, $0x38;
	[tilespmem:$0x19E80] =	vst v63  }
0x15: {  	_ =	swait.ge [sflag:s17], $0x12080  }
0x16: {  	s16 =	simm.s32 $0x12080;
	p0 =	por $0x0, $0x0;
	[sflag:s17] =	ssyncset.done $0x0  }
0x17: {  	s14 =	simm.s32 $0x0;
	s21 =	rddreg [dreg:$0x6];
	[sflag:s17] =	ssyncadd.s32 $0xFFFEDF80  }
0x18: {  	[tilespmem:s16], [sflag:$0x1] =	stream.linear.gather [hbm4b:s21+s19], $0x700, $0x38;
	[tilespmem:$0x19E80] =	vst v63  }
.LBB2_2:
0x19: {  	s16 =	sadd.s32 $0x1, s14;
	p1 =	seq.s32 s14, $0xF  }
0x1a: {  	s17 =	sand.u32 $0x1, s14;
	[dreg:$0x9] =	wrdreg s16;
	s16 =	smul.u32 @!p1 $0x70, s16  }
0x1b: {  	s15 =	sxor.u32 @!p1 $0x1, s17  }
0x1c: {  	[dreg:$0xa] =	wrdreg s14;
	s13 =	smul.u32 @!p1 $0x1C00, s15;
	s16 =	sadd.s32 @!p1 s18, s16  }
0x1d: {  	p2 =	slt.u32 @!p1 s14, $0x2;
	s15 =	sadd.s32 @!p1 $0x1, s15;
	s16 =	sshll.u32 @!p1 s16, $0x1  }
0x1e: {  	s18 =	rddreg [dreg:$0x0];
	s13 =	sshrl.u32 @!p1 s13, $0x2;
	s16 =	sand.u32 @!p1 $0x1FFFFFE0, s16  }
0x1f: {  	s13 =	sor.u32 @!p1 $0x12080, s13;
	s16 =	sadd.s32 @!p1 s18, s16;
	s18 =	simm.s32 @!p1 $0x0  }
0x20: {  	[tilespmem:s13], [sflag:s15] =	stream.linear.gather @!p1 [hbm4b:s16+s18], $0x700, $0x38;
	[tilespmem:$0x19E80] =	vst v63  }
0x21: {  	s21 =	smov.u32 s17;
	s14 =	sadd.s32 $0x3, s17;
	p1 =	por p1, !p2  }
0x22: {  	s15 =	simm.s32 $0x1;
	_ =	swait.ge @p1 [sflag:s14], $0x3800;
	[dreg:$0xb] =	wrdreg s14  }
0x23: {  	s15 =	simm.s32 @!p0 $0x0;
	[dreg:$0xd] =	wrdreg s21;
	[sflag:s14] =	ssyncset.done @p1 $0x0  }
0x24: {  	s13 =	smul.u32 $0x1C00, s15;
	[sflag:s14] =	ssyncadd.s32 @p1 $0xFFFFC800;
	s14 =	sadd.s32 $0x1, s21  }
0x25: {  	_ =	swait.ge [sflag:s14], $0x700  }
0x26: {  	s16 =	sshrl.u32 s13, $0x2;
	[sflag:s14] =	ssyncset.done $0x0  }
0x27: {  	s16 =	sor.u32 $0x120A0, s16;
	[sflag:s14] =	ssyncadd.s32 $0xFFFFF900  }
0x28: {  	v0 =	vld [tilespmem:s16+$0x10];
	_ =	sdelay $0x4  }
0x29: {  	v1 =	vimm.s32 $0x0;
	v0 =	vshll.u32 v0, $0x6  }
0x2a: {  	v3 =	vimm.s32 $0x1;
	v1 =	vperm.xlane v0, v1  }
0x2b: {  	v3 =	vperm.xlane v0, v3  }
0x2c: {  	v10 =	vadd.s32 v2, v1;
	v1 =	vperm.xlane v0, v5  }
0x2d: {  	v9 =	vadd.s32 v2, v3;
	v3 =	vperm.xlane v0, v6  }
0x2e: {  	v8 =	vadd.s32 v60, v1;
	v1 =	vperm.xlane v0, v7  }
0x2f: {  	v11 =	vld [tilespmem:s16+$0xFFFFFFF0];
	v7 =	vadd.s32 v60, v3;
	v3 =	vperm.xlane v0, v12  }
0x30: {  	v44 =	vld [tilespmem:s16+$0xFFFFFFE0];
	v6 =	vadd.s32 v60, v1;
	v1 =	vperm.xlane v0, v4  }
0x31: {  	v5 =	vadd.s32 v60, v3;
	v3 =	vperm.xlane v0, v13;
	v45 =	vld.idx.msk [tilespmem:v10+s19+$0x0], $0xffff  }
0x32: {  	v14 =	vld.idx.msk [tilespmem:v9+s20+$0x0], $0xffff;
	v4 =	vadd.s32 v60, v1  }
0x33: {  	v3 =	vadd.s32 v60, v3;
	v15 =	vld.idx.msk [tilespmem:v8+s12+$0x0], $0xffff  }
0x34: {  	v25 =	vimm.s32 $0x4;
	v21 =	vimm.s32 $0x5;
	v22 =	vimm.s32 $0x3;
	v16 =	vld.idx.msk [tilespmem:v7+s22+$0x0], $0xffff  }
0x35: {  	v26 =	vimm.s32 $0x2;
	v29 =	vimm.s32 $0x0;
	v12 =	vshll.u32 v44, $0x6;
	v17 =	vld.idx.msk [tilespmem:v6+s23+$0x0], $0xffff  }
0x36: {  	v27 =	vimm.s32 $0x7;
	v31 =	vimm.s32 $0x6;
	v46 =	vperm.xlane v12, v29;
	v18 =	vld.idx.msk [tilespmem:v5+s24+$0x0], $0xffff  }
0x37: {  	v28 =	vimm.s32 $0x1;
	v11 =	vshll.u32 v11, $0x6;
	v0 =	vperm.xlane v0, v19;
	v23 =	vld.idx.msk [tilespmem:v4+s25+$0x0], $0xffff  }
0x38: {  	v53 =	vperm.xlane v11, v29;
	v20 =	vperm.xlane v12, v28;
	v2 =	vadd.s32 v60, v46;
	v24 =	vld.idx.msk [tilespmem:v3+s26+$0x0], $0xffff  }
0x39: {  	v22 =	vperm.xlane v12, v22;
	v25 =	vperm.xlane v12, v25;
	v34 =	vadd.s32 v60, v0  }
0x3a: {  	v51 =	vperm.xlane v12, v31;
	v20 =	vadd.s32 v60, v20;
	v0 =	vperm.xlane v12, v26  }
0x3b: {  	v57 =	vadd.s32 v60, v25;
	v26 =	vperm.xlane v12, v21;
	v21 =	vadd.s32 v60, v22  }
0x3c: {  	v48 =	vld [tilespmem:s16+$0x0];
	v33 =	vadd.s32 v60, v0;
	v13 =	vadd.bf16 v14, v45;
	v47 =	vadd.bf16 v16, v15  }
0x3d: {  	v36 =	vld.idx.msk [tilespmem:v2+s19+$0x0], $0xffff;
	v49 =	vadd.bf16 v18, v17;
	v50 =	vadd.bf16 v24, v23;
	v23 =	vperm.xlane v12, v27  }
0x3e: {  	v1 =	vadd.s32 v60, v51;
	v35 =	vadd.s32 v60, v26;
	v13 =	vadd.bf16 v47, v13;
	v27 =	vld.idx.msk [tilespmem:v34+s28+$0x0], $0xffff  }
0x3f: {  	v30 =	vimm.s32 $0x2;
	v17 =	vld.idx.msk [tilespmem:v20+s20+$0x0], $0xffff;
	[tilespmem:$0x1FDD0] =	vst v1;
	v52 =	vadd.bf16 v50, v49;
	v0 =	vadd.s32 v60, v23  }
0x40: {  	v55 =	vperm.xlane v11, v30;
	[tilespmem:$0x1FDE0] =	vst v0  }
0x41: {  	v54 =	vperm.xlane v11, v28;
	v59 =	vadd.s32 v60, v53;
	v37 =	vld.idx.msk [tilespmem:v33+s12+$0x0], $0xffff;
	v13 =	vadd.bf16 v52, v13  }
0x42: {  	v22 =	vadd.s32 v60, v55;
	v38 =	vld.idx.msk [tilespmem:v21+s22+$0x0], $0xffff  }
0x43: {  	v61 =	vadd.s32 v60, v54;
	v16 =	vld.idx.msk [tilespmem:v57+s23+$0x0], $0xffff;
	[tilespmem:$0x1FDF0] =	vst v22;
	v13 =	vadd.bf16 v27, v13  }
0x44: {  	s15 =	smul.u32 $0xE000, s15;
	v14 =	vld.idx.msk [tilespmem:v35+s24+$0x0], $0xffff  }
0x45: {  	v18 =	vld.idx.msk [tilespmem:v1+s25+$0x0], $0xffff;
	v27 =	vshll.u32 v13, $0x10  }
0x46: {  	s15 =	sshrl.u32 s15, $0x2;
	v40 =	vld.idx.msk [tilespmem:v59+s19+$0x0], $0xffff;
	v13 =	vand.u32 $0xFFFF0000, v13;
	v27 =	vmul.f32 $3.333333430e-01, v27  }
0x47: {  	s21 =	sadd.s32 $0x12F80, s15;
	v39 =	vld.idx.msk [tilespmem:v0+s26+$0x0], $0xffff;
	[tilespmem:$0x1FE50] =	vst v59;
	v13 =	vmul.f32 $3.333333430e-01, v13  }
0x48: {  	v41 =	vld.idx.msk [tilespmem:v61+s20+$0x0], $0xffff;
	[tilespmem:s21+$0x80] =	vst v27  }
0x49: {  	v19 =	vimm.s32 $0x4;
	v42 =	vld.idx.msk [tilespmem:v22+s12+$0x0], $0xffff;
	[tilespmem:s21+$0xC0] =	vst v13  }
0x4a: {  	v28 =	vperm.xlane v11, v19;
	v13 =	vld.idx.msk [tilespmem:v10+s29+$0x0], $0xffff  }
0x4b: {  	v32 =	vimm.s32 $0x0;
	v63 =	vimm.s32 $0x6;
	v43 =	vld.idx.msk [tilespmem:v9+s30+$0x0], $0xffff  }
0x4c: {  	v31 =	vmovc v20;
	v28 =	vadd.s32 v60, v28;
	v20 =	vmovc v21;
	v21 =	vimm.s32 $0x3;
	v1 =	vimm.s32 $0x7;
	v44 =	vld.idx.msk [tilespmem:v8+s31+$0x0], $0xffff  }
0x4d: {  	v15 =	vshll.u32 v48, $0x6;
	v30 =	vperm.xlane v11, v1;
	v27 =	vperm.xlane v11, v21;
	v45 =	vld.idx.msk [tilespmem:v7+s0+$0x0], $0xffff  }
0x4e: {  	v25 =	vmovc v2;
	v2 =	vimm.s32 $0x1;
	v32 =	vperm.xlane v15, v32;
	v0 =	vimm.s32 $0x5;
	v46 =	vld.idx.msk [tilespmem:v6+s2+$0x0], $0xffff  }
0x4f: {  	v29 =	vperm.xlane v11, v0;
	v22 =	vadd.s32 v60, v30;
	v47 =	vld.idx.msk [tilespmem:v5+s10+$0x0], $0xffff;
	v26 =	vadd.s32 v60, v27  }
0x50: {  	v55 =	vperm.xlane v15, v19;
	v23 =	vimm.s32 $0x2;
	v50 =	vperm.xlane v15, v2;
	v48 =	vld.idx.msk [tilespmem:v4+s4+$0x0], $0xffff;
	[tilespmem:$0x1FE00] =	vst v22  }
0x51: {  	v2 =	vadd.s32 v60, v32;
	v53 =	vperm.xlane v15, v21;
	v29 =	vadd.s32 v60, v29;
	v49 =	vld.idx.msk [tilespmem:v3+s7+$0x0], $0xffff  }
0x52: {  	v52 =	vperm.xlane v15, v23;
	v23 =	vimm.s32 $0x8;
	v27 =	vperm.xlane v11, v63  }
0x53: {  	v12 =	vperm.xlane v12, v23;
	v62 =	vadd.s32 v60, v53;
	v56 =	vperm.xlane v15, v0  }
0x54: {  	v0 =	vadd.s32 v60, v50;
	v58 =	vadd.s32 v60, v27;
	v51 =	vld.idx.msk [tilespmem:v26+s22+$0x0], $0xffff;
	[tilespmem:$0x1FE10] =	vst v2  }
0x55: {  	v13 =	vadd.bf16 v43, v13;
	v43 =	vadd.bf16 v45, v44;
	v54 =	vld.idx.msk [tilespmem:v28+s23+$0x0], $0xffff;
	[tilespmem:$0x1FE20] =	vst v0  }
0x56: {  	v53 =	vperm.xlane v15, v63;
	v19 =	vadd.bf16 v47, v46;
	v32 =	vadd.bf16 v49, v48;
	v50 =	vld.idx.msk [tilespmem:v29+s24+$0x0], $0xffff  }
0x57: {  	v63 =	vadd.s32 v60, v55;
	v27 =	vmovc v28;
	v28 =	vmov v29;
	v29 =	vadd.s32 v60, v52;
	v55 =	vld.idx.msk [tilespmem:v34+s8+$0x0], $0xffff  }
0x58: {  	v13 =	vadd.bf16 v43, v13;
	v44 =	vld.idx.msk [tilespmem:v22+s26+$0x0], $0xffff;
	v22 =	vadd.s32 v60, v56;
	v56 =	vadd.bf16 v32, v19  }
0x59: {  	v24 =	vadd.s32 v60, v53;
	v52 =	vld.idx.msk [tilespmem:v58+s25+$0x0], $0xffff;
	v32 =	vperm.xlane v15, v1  }
0x5a: {  	v11 =	vperm.xlane v11, v23;
	v47 =	vadd.s32 v60, v12;
	v49 =	vld.idx.msk [tilespmem:v2+s19+$0x0], $0xffff;
	v13 =	vadd.bf16 v56, v13  }
0x5b: {  	v46 =	vld.idx.msk [tilespmem:v0+s20+$0x0], $0xffff;
	[tilespmem:$0x1FDB0] =	vst v47;
	v15 =	vperm.xlane v15, v23;
	v30 =	vadd.s32 v60, v32  }
0x5c: {  	v21 =	vadd.s32 v60, v11;
	v12 =	vld.idx.msk [tilespmem:v29+s12+$0x0], $0xffff;
	[tilespmem:$0x1FDC0] =	vst v30;
	v13 =	vadd.bf16 v55, v13  }
0x5d: {  	v2 =	vadd.s32 v60, v15;
	v43 =	vld.idx.msk [tilespmem:v62+s22+$0x0], $0xffff;
	[tilespmem:$0x1FE30] =	vst v21  }
0x5e: {  	v11 =	vld.idx.msk [tilespmem:v63+s23+$0x0], $0xffff;
	[tilespmem:$0x1FE40] =	vst v2;
	v55 =	vshll.u32 v13, $0x10  }
0x5f: {  	v48 =	vadd.bf16 v38, v37;
	v13 =	vand.u32 $0xFFFF0000, v13;
	v15 =	vld.idx.msk [tilespmem:v22+s24+$0x0], $0xffff;
	v37 =	vmul.f32 $3.333333430e-01, v55  }
0x60: {  	v53 =	vadd.bf16 v39, v18;
	v18 =	vld.idx.msk [tilespmem:v24+s25+$0x0], $0xffff;
	v13 =	vmul.f32 $3.333333430e-01, v13  }
0x61: {  	v17 =	vadd.bf16 v17, v36;
	v14 =	vadd.bf16 v14, v16;
	v56 =	vld.idx.msk [tilespmem:v47+s28+$0x0], $0xffff;
	[tilespmem:s21+$0x90] =	vst v37  }
0x62: {  	v36 =	vld.idx.msk [tilespmem:v21+s28+$0x0], $0xffff;
	[tilespmem:s21+$0xD0] =	vst v13  }
0x63: {  	v14 =	vadd.bf16 v53, v14;
	v17 =	vadd.bf16 v48, v17;
	v13 =	vld.idx.msk [tilespmem:v10+s9+$0x0], $0xffff  }
0x64: {  	v37 =	vld.idx.msk [tilespmem:v9+s1+$0x0], $0xffff  }
0x65: {  	v19 =	vadd.bf16 v41, v40;
	v14 =	vadd.bf16 v14, v17;
	v39 =	vld.idx.msk [tilespmem:v8+s5+$0x0], $0xffff  }
0x66: {  	v32 =	vadd.bf16 v51, v42;
	v44 =	vadd.bf16 v44, v52;
	v52 =	vld.idx.msk [tilespmem:v6+s3+$0x0], $0xffff  }
0x67: {  	s17 =	simm.s32 $0xE020;
	v54 =	vadd.bf16 v50, v54;
	v53 =	vld.idx.msk [tilespmem:v5+s11+$0x0], $0xffff;
	v14 =	vadd.bf16 v56, v14  }
0x68: {  	v38 =	vadd.bf16 v32, v19;
	v32 =	vld.idx.msk [tilespmem:v3+s17+$0x0], $0xffff  }
0x69: {  	s15 =	simm.s32 $0xC020;
	v54 =	vadd.bf16 v44, v54;
	v56 =	vld.idx.msk [tilespmem:v7+s6+$0x0], $0xffff;
	v55 =	vshll.u32 v14, $0x10  }
0x6a: {  	v14 =	vand.u32 $0xFFFF0000, v14;
	v42 =	vmul.f32 $3.333333430e-01, v55;
	v55 =	vld.idx.msk [tilespmem:v4+s15+$0x0], $0xffff  }
0x6b: {  	v16 =	vld.idx.msk [tilespmem:v30+s26+$0x0], $0xffff;
	v38 =	vadd.bf16 v54, v38;
	v14 =	vmul.f32 $3.333333430e-01, v14  }
0x6c: {  	s13 =	simm.s32 $0x10020;
	v17 =	vld.idx.msk [tilespmem:v2+s28+$0x0], $0xffff;
	[tilespmem:s21+$0xFFFFFF00] =	vst v42  }
0x6d: {  	v41 =	vld.idx.msk [tilespmem:v34+s13+$0x0], $0xffff;
	v36 =	vadd.bf16 v36, v38;
	[tilespmem:s21+$0xFFFFFF40] =	vst v14  }
0x6e: {  	v23 =	vmov v47;
	v13 =	vadd.bf16 v37, v13;
	v47 =	vadd.bf16 v53, v52;
	v40 =	vld.idx.msk [tilespmem:v25+s29+$0x0], $0xffff  }
0x6f: {  	v50 =	vadd.bf16 v56, v39;
	v42 =	vld.idx.msk [tilespmem:v31+s30+$0x0], $0xffff;
	v14 =	vadd.bf16 v32, v55  }
0x70: {  	v38 =	vld.idx.msk [tilespmem:v33+s31+$0x0], $0xffff  }
0x71: {  	v56 =	vshll.u32 v36, $0x10;
	v44 =	vld.idx.msk [tilespmem:v20+s0+$0x0], $0xffff;
	v13 =	vadd.bf16 v50, v13;
	v14 =	vadd.bf16 v14, v47  }
0x72: {  	v36 =	vand.u32 $0xFFFF0000, v36;
	v45 =	vld.idx.msk [tilespmem:v57+s2+$0x0], $0xffff;
	v39 =	vmul.f32 $3.333333430e-01, v56  }
0x73: {  	s17 =	sadd.s32 $0x40, s16;
	v36 =	vmul.f32 $3.333333430e-01, v36;
	v53 =	vld.idx.msk [tilespmem:v35+s10+$0x0], $0xffff;
	v13 =	vadd.bf16 v14, v13  }
0x74: {  	[tilespmem:s21+$0xFFFFFF80] =	vst v39;
	v32 =	vld [tilespmem:s17+$0x10]  }
0x75: {  	v2 =	vmov v33;
	v33 =	vmov v35;
	v35 =	vld [tilespmem:$0x1FDD0];
	[tilespmem:s21+$0xFFFFFFC0] =	vst v36;
	v13 =	vadd.bf16 v41, v13  }
0x76: {  	v48 =	vld [tilespmem:$0x1FDE0]  }
0x77: {  	v52 =	vmov v61;
	v54 =	vld.idx.msk [tilespmem:v61+s30+$0x0], $0xffff;
	v61 =	vshll.u32 v13, $0x10  }
0x78: {  	v39 =	vld.idx.msk [tilespmem:v59+s29+$0x0], $0xffff;
	v13 =	vand.u32 $0xFFFF0000, v13;
	v47 =	vmul.f32 $3.333333430e-01, v61  }
0x79: {  	v21 =	vld [tilespmem:$0x1FDF0];
	v13 =	vmul.f32 $3.333333430e-01, v13  }
0x7a: {  	v55 =	vld.idx.msk [tilespmem:v26+s0+$0x0], $0xffff;
	[tilespmem:s21+$0xA0] =	vst v47  }
0x7b: {  	s18 =	simm.s32 $0x30;
	v56 =	vld.idx.msk [tilespmem:v27+s2+$0x0], $0xffff;
	[tilespmem:s21+$0xE0] =	vst v13  }
0x7c: {  	v10 =	vld.idx.msk [tilespmem:v10+s18+$0x0], $0xffff  }
0x7d: {  	v50 =	vld.idx.msk [tilespmem:v58+s4+$0x0], $0xffff  }
0x7e: {  	v37 =	vld.idx.msk [tilespmem:v35+s4+$0x0], $0xffff  }
0x7f: {  	v61 =	vld.idx.msk [tilespmem:v28+s10+$0x0], $0xffff  }
0x80: {  	v36 =	vld.idx.msk [tilespmem:v48+s7+$0x0], $0xffff  }
0x81: {  	v41 =	vld.idx.msk [tilespmem:v21+s31+$0x0], $0xffff;
	s18 =	simm.s32 $0x2030;
	[tilespmem:$0x1FEB0] =	vst v10  }
0x82: {  	v9 =	vld.idx.msk [tilespmem:v9+s18+$0x0], $0xffff;
	_ =	sdelay $0x4  }
0x83: {  	s15 =	simm.s32 $0x4030;
	[tilespmem:$0x1FEC0] =	vst v9  }
0x84: {  	v8 =	vld.idx.msk [tilespmem:v8+s15+$0x0], $0xffff;
	_ =	sdelay $0x4  }
0x85: {  	s16 =	simm.s32 $0x6030;
	[tilespmem:$0x1FED0] =	vst v8  }
0x86: {  	v7 =	vld.idx.msk [tilespmem:v7+s16+$0x0], $0xffff;
	_ =	sdelay $0x4  }
0x87: {  	s15 =	simm.s32 $0x8030;
	[tilespmem:$0x1FEE0] =	vst v7  }
0x88: {  	v6 =	vld.idx.msk [tilespmem:v6+s15+$0x0], $0xffff;
	_ =	sdelay $0x4  }
0x89: {  	v46 =	vadd.bf16 v46, v49;
	s16 =	simm.s32 $0xA030;
	[tilespmem:$0x1FEF0] =	vst v6  }
0x8a: {  	v12 =	vadd.bf16 v43, v12;
	v32 =	vshll.u32 v32, $0x6;
	v9 =	vimm.s32 $0x1;
	v5 =	vld.idx.msk [tilespmem:v5+s16+$0x0], $0xffff  }
0x8b: {  	v11 =	vadd.bf16 v15, v11;
	v47 =	vadd.bf16 v16, v18;
	v9 =	vperm.xlane v32, v9  }
0x8c: {  	v12 =	vadd.bf16 v12, v46;
	v10 =	vimm.s32 $0x0  }
0x8d: {  	v10 =	vperm.xlane v32, v10;
	v13 =	vadd.s32 v60, v9;
	v9 =	vadd.bf16 v47, v11;
	_ =	sdelay $0x1  }
0x8e: {  	v9 =	vadd.bf16 v9, v12;
	v8 =	vadd.s32 v60, v10;
	v10 =	vimm.s32 $0x2;
	s15 =	simm.s32 $0xC030;
	[tilespmem:$0x1FF00] =	vst v5  }
0x8f: {  	v0 =	vimm.s32 $0x3;
	v10 =	vperm.xlane v32, v10;
	v4 =	vld.idx.msk [tilespmem:v4+s15+$0x0], $0xffff  }
0x90: {  	v12 =	vadd.bf16 v17, v9;
	v7 =	vperm.xlane v32, v0;
	v0 =	vimm.s32 $0x4  }
0x91: {  	v14 =	vadd.s32 v60, v10;
	v6 =	vperm.xlane v32, v0;
	v0 =	vimm.s32 $0x5  }
0x92: {  	v11 =	vadd.s32 v60, v7;
	v5 =	vperm.xlane v32, v0  }
0x93: {  	v1 =	vimm.s32 $0x7;
	v49 =	vshll.u32 v12, $0x10;
	v12 =	vand.u32 $0xFFFF0000, v12  }
0x94: {  	v16 =	vmul.f32 $3.333333430e-01, v49;
	v7 =	vadd.s32 v60, v5;
	v5 =	vperm.xlane v32, v1;
	[tilespmem:$0x1FF10] =	vst v4  }
0x95: {  	v12 =	vmul.f32 $3.333333430e-01, v12;
	v10 =	vadd.s32 v60, v6;
	v15 =	vld.idx.msk [tilespmem:v8+s19+$0x0], $0xffff  }
0x96: {  	v6 =	vadd.s32 v60, v5;
	v5 =	vld.idx.msk [tilespmem:v14+s12+$0x0], $0xffff;
	[tilespmem:s21+$0x0] =	vst v16  }
0x97: {  	v0 =	vimm.s32 $0x6;
	v17 =	vld.idx.msk [tilespmem:v11+s22+$0x0], $0xffff;
	[tilespmem:s21+$0x40] =	vst v12  }
0x98: {  	v51 =	vimm.s32 $0x8;
	v19 =	vmov v20;
	v4 =	vperm.xlane v32, v0;
	v20 =	vld [tilespmem:$0x1FE00]  }
0x99: {  	v16 =	vperm.xlane v32, v51;
	v32 =	vld [tilespmem:$0x1FE10]  }
0x9a: {  	v18 =	vld.idx.msk [tilespmem:v10+s23+$0x0], $0xffff;
	v9 =	vadd.s32 v60, v4  }
0x9b: {  	s14 =	simm.s32 $0xE030;
	v43 =	vld.idx.msk [tilespmem:v7+s24+$0x0], $0xffff  }
0x9c: {  	v0 =	vld.idx.msk [tilespmem:v3+s14+$0x0], $0xffff  }
0x9d: {  	v4 =	vld.idx.msk [tilespmem:v13+s20+$0x0], $0xffff  }
0x9e: {  	v40 =	vadd.bf16 v42, v40;
	v42 =	vld.idx.msk [tilespmem:v6+s26+$0x0], $0xffff  }
0x9f: {  	v12 =	vadd.s32 v60, v16;
	v59 =	vld.idx.msk [tilespmem:v9+s25+$0x0], $0xffff  }
0xa0: {  	v16 =	vld.idx.msk [tilespmem:v20+s7+$0x0], $0xffff  }
0xa1: {  	v38 =	vadd.bf16 v44, v38;
	v36 =	vadd.bf16 v36, v37;
	v37 =	vld.idx.msk [tilespmem:v32+s29+$0x0], $0xffff  }
0xa2: {  	v53 =	vadd.bf16 v53, v45;
	[tilespmem:$0x1FF20] =	vst v0;
	v0 =	vld [tilespmem:$0x1FE20]  }
0xa3: {  	v38 =	vadd.bf16 v38, v40;
	v1 =	vadd.bf16 v4, v15;
	v4 =	vld.idx.msk [tilespmem:v23+s8+$0x0], $0xffff  }
0xa4: {  	v36 =	vadd.bf16 v36, v53;
	s16 =	simm.s32 $0x10030;
	v5 =	vadd.bf16 v17, v5;
	v53 =	vld.idx.msk [tilespmem:v12+s28+$0x0], $0xffff  }
0xa5: {  	v47 =	vadd.bf16 v43, v18;
	v3 =	vld.idx.msk [tilespmem:v34+s16+$0x0], $0xffff;
	v51 =	vadd.bf16 v42, v59  }
0xa6: {  	v36 =	vadd.bf16 v36, v38;
	v40 =	vld.idx.msk [tilespmem:v29+s31+$0x0], $0xffff  }
0xa7: {  	v1 =	vadd.bf16 v5, v1;
	v17 =	vld.idx.msk [tilespmem:v62+s0+$0x0], $0xffff;
	v5 =	vadd.bf16 v51, v47  }
0xa8: {  	v18 =	vld.idx.msk [tilespmem:v63+s2+$0x0], $0xffff;
	v4 =	vadd.bf16 v4, v36  }
0xa9: {  	v1 =	vadd.bf16 v5, v1;
	v5 =	vld.idx.msk [tilespmem:v22+s10+$0x0], $0xffff  }
0xaa: {  	v15 =	vld.idx.msk [tilespmem:v0+s30+$0x0], $0xffff;
	[tilespmem:$0x1FF50] =	vst v3;
	v3 =	vshll.u32 v4, $0x10  }
0xab: {  	v1 =	vadd.bf16 v53, v1;
	v4 =	vand.u32 $0xFFFF0000, v4;
	v3 =	vmul.f32 $3.333333430e-01, v3  }
0xac: {  	v36 =	vld.idx.msk [tilespmem:v24+s4+$0x0], $0xffff;
	v4 =	vmul.f32 $3.333333430e-01, v4  }
0xad: {  	v38 =	vld.idx.msk [tilespmem:v30+s7+$0x0], $0xffff;
	v59 =	vshll.u32 v1, $0x10;
	[tilespmem:s21+$0xFFFFFF10] =	vst v3  }
0xae: {  	v1 =	vand.u32 $0xFFFF0000, v1;
	v3 =	vmul.f32 $3.333333430e-01, v59;
	v46 =	vld [tilespmem:$0x1FE30];
	[tilespmem:s21+$0xFFFFFF50] =	vst v4  }
0xaf: {  	v49 =	vmov v23;
	s16 =	sadd.s32 $0x200, s21;
	v1 =	vmul.f32 $3.333333430e-01, v1;
	v23 =	vld [tilespmem:$0x1FE40]  }
0xb0: {  	[tilespmem:s16+$0x80] =	vst v3;
	v3 =	vld.idx.msk [tilespmem:v25+s9+$0x0], $0xffff  }
0xb1: {  	[tilespmem:s16+$0xC0] =	vst v1;
	v1 =	vld.idx.msk [tilespmem:v31+s1+$0x0], $0xffff  }
0xb2: {  	v17 =	vadd.bf16 v17, v40;
	v40 =	vld.idx.msk [tilespmem:v33+s11+$0x0], $0xffff  }
0xb3: {  	v43 =	vld.idx.msk [tilespmem:v8+s29+$0x0], $0xffff  }
0xb4: {  	v44 =	vld.idx.msk [tilespmem:v13+s30+$0x0], $0xffff  }
0xb5: {  	v39 =	vadd.bf16 v54, v39;
	v41 =	vadd.bf16 v55, v41;
	v54 =	vld.idx.msk [tilespmem:v14+s31+$0x0], $0xffff  }
0xb6: {  	v16 =	vadd.bf16 v16, v50;
	v59 =	vadd.bf16 v61, v56;
	v61 =	vld.idx.msk [tilespmem:v11+s0+$0x0], $0xffff  }
0xb7: {  	v34 =	vld.idx.msk [tilespmem:v46+s8+$0x0], $0xffff  }
0xb8: {  	v39 =	vadd.bf16 v41, v39;
	v16 =	vadd.bf16 v16, v59;
	v41 =	vld.idx.msk [tilespmem:v10+s2+$0x0], $0xffff  }
0xb9: {  	v45 =	vld.idx.msk [tilespmem:v7+s10+$0x0], $0xffff  }
0xba: {  	v50 =	vld.idx.msk [tilespmem:v9+s4+$0x0], $0xffff;
	v16 =	vadd.bf16 v16, v39  }
0xbb: {  	v5 =	vadd.bf16 v5, v18;
	v15 =	vadd.bf16 v15, v37;
	v53 =	vld.idx.msk [tilespmem:v6+s7+$0x0], $0xffff  }
0xbc: {  	v36 =	vadd.bf16 v38, v36;
	v38 =	vld.idx.msk [tilespmem:v2+s5+$0x0], $0xffff;
	v16 =	vadd.bf16 v34, v16  }
0xbd: {  	v15 =	vadd.bf16 v17, v15;
	v17 =	vld.idx.msk [tilespmem:v19+s6+$0x0], $0xffff  }
0xbe: {  	v39 =	vld.idx.msk [tilespmem:v57+s3+$0x0], $0xffff;
	v5 =	vadd.bf16 v36, v5;
	v59 =	vadd.bf16 v44, v43;
	v56 =	vshll.u32 v16, $0x10  }
0xbf: {  	s10 =	simm.s32 $0xC020;
	v61 =	vadd.bf16 v61, v54;
	v4 =	vld.idx.msk [tilespmem:v23+s8+$0x0], $0xffff;
	v16 =	vand.u32 $0xFFFF0000, v16;
	v36 =	vmul.f32 $3.333333430e-01, v56  }
0xc0: {  	s2 =	simm.s32 $0x10010;
	v44 =	vld.idx.msk [tilespmem:v35+s10+$0x0], $0xffff;
	v41 =	vadd.bf16 v45, v41;
	v18 =	vadd.bf16 v53, v50;
	v16 =	vmul.f32 $3.333333430e-01, v16  }
0xc1: {  	s7 =	simm.s32 $0xE020;
	v5 =	vadd.bf16 v5, v15;
	v45 =	vld.idx.msk [tilespmem:v12+s2+$0x0], $0xffff;
	[tilespmem:s21+$0xFFFFFF90] =	vst v36  }
0xc2: {  	v50 =	vadd.bf16 v61, v59;
	v18 =	vadd.bf16 v18, v41;
	[tilespmem:s21+$0xFFFFFFD0] =	vst v16;
	v16 =	vld.idx.msk [tilespmem:v48+s7+$0x0], $0xffff  }
0xc3: {  	s4 =	simm.s32 $0x2020;
	v53 =	vld [tilespmem:$0x1FE50]  }
0xc4: {  	s15 =	simm.s32 $0x4020;
	v4 =	vadd.bf16 v4, v5;
	v5 =	vadd.bf16 v18, v50;
	v41 =	vld.idx.msk [tilespmem:v52+s4+$0x0], $0xffff  }
0xc5: {  	s6 =	simm.s32 $0x6020;
	v18 =	vld.idx.msk [tilespmem:v21+s15+$0x0], $0xffff  }
0xc6: {  	s3 =	simm.s32 $0x8020;
	v55 =	vshll.u32 v4, $0x10;
	v5 =	vadd.bf16 v45, v5;
	v42 =	vld.idx.msk [tilespmem:v26+s6+$0x0], $0xffff  }
0xc7: {  	s11 =	simm.s32 $0xA020;
	v4 =	vand.u32 $0xFFFF0000, v4;
	v56 =	vmul.f32 $3.333333430e-01, v55;
	v36 =	vld.idx.msk [tilespmem:v27+s3+$0x0], $0xffff  }
0xc8: {  	v4 =	vmul.f32 $3.333333430e-01, v4;
	v59 =	vshll.u32 v5, $0x10;
	v43 =	vld.idx.msk [tilespmem:v28+s11+$0x0], $0xffff  }
0xc9: {  	v5 =	vand.u32 $0xFFFF0000, v5;
	[tilespmem:s21+$0x10] =	vst v56;
	v15 =	vld.idx.msk [tilespmem:v58+s10+$0x0], $0xffff;
	v45 =	vmul.f32 $3.333333430e-01, v59  }
0xca: {  	[tilespmem:s21+$0x50] =	vst v4;
	v59 =	vld.idx.msk [tilespmem:v20+s7+$0x0], $0xffff;
	v4 =	vmul.f32 $3.333333430e-01, v5  }
0xcb: {  	s8 =	simm.s32 $0x20;
	v5 =	vld.idx.msk [tilespmem:v49+s13+$0x0], $0xffff;
	[tilespmem:s16+$0x90] =	vst v45  }
0xcc: {  	v56 =	vld.idx.msk [tilespmem:v32+s8+$0x0], $0xffff;
	[tilespmem:s16+$0xD0] =	vst v4  }
0xcd: {  	s2 =	simm.s32 $0x2020;
	v4 =	vld.idx.msk [tilespmem:v8+s8+$0x0], $0xffff  }
0xce: {  	v45 =	vld.idx.msk [tilespmem:v13+s2+$0x0], $0xffff  }
0xcf: {  	s4 =	simm.s32 $0x6020;
	v54 =	vld.idx.msk [tilespmem:v14+s15+$0x0], $0xffff  }
0xd0: {  	s9 =	simm.s32 $0x8020;
	v1 =	vadd.bf16 v1, v3;
	v3 =	vadd.bf16 v17, v38;
	v17 =	vld.idx.msk [tilespmem:v11+s4+$0x0], $0xffff  }
0xd1: {  	v61 =	vadd.bf16 v40, v39;
	s6 =	simm.s32 $0xA020;
	v39 =	vld.idx.msk [tilespmem:v10+s9+$0x0], $0xffff;
	v16 =	vadd.bf16 v16, v44  }
0xd2: {  	s10 =	simm.s32 $0xC020;
	v40 =	vld.idx.msk [tilespmem:v7+s6+$0x0], $0xffff  }
0xd3: {  	v1 =	vadd.bf16 v3, v1;
	s11 =	simm.s32 $0xE020;
	v49 =	vld.idx.msk [tilespmem:v9+s10+$0x0], $0xffff;
	v3 =	vadd.bf16 v16, v61  }
0xd4: {  	v55 =	vld.idx.msk [tilespmem:v6+s11+$0x0], $0xffff  }
0xd5: {  	v44 =	vld.idx.msk [tilespmem:v0+s2+$0x0], $0xffff;
	v1 =	vadd.bf16 v3, v1  }
0xd6: {  	v37 =	vld.idx.msk [tilespmem:v53+s8+$0x0], $0xffff;
	[tilespmem:$0x1FE60] =	vst v29  }
0xd7: {  	v47 =	vmov v25;
	v25 =	vmov v2;
	v2 =	vld.idx.msk [tilespmem:v29+s15+$0x0], $0xffff;
	[tilespmem:$0x1FE70] =	vst v62;
	v1 =	vadd.bf16 v5, v1  }
0xd8: {  	v62 =	vld.idx.msk [tilespmem:v62+s4+$0x0], $0xffff;
	[tilespmem:$0x1FE80] =	vst v63  }
0xd9: {  	v3 =	vadd.bf16 v45, v4;
	v4 =	vadd.bf16 v17, v54;
	v17 =	vld.idx.msk [tilespmem:v63+s9+$0x0], $0xffff;
	[tilespmem:$0x1FE90] =	vst v22;
	v45 =	vshll.u32 v1, $0x10  }
0xda: {  	v5 =	vadd.bf16 v40, v39;
	v38 =	vld.idx.msk [tilespmem:v22+s6+$0x0], $0xffff;
	v1 =	vand.u32 $0xFFFF0000, v1;
	v39 =	vmul.f32 $3.333333430e-01, v45  }
0xdb: {  	v16 =	vadd.bf16 v55, v49;
	v49 =	vld.idx.msk [tilespmem:v12+s13+$0x0], $0xffff;
	[tilespmem:$0x1FEA0] =	vst v24;
	v1 =	vmul.f32 $3.333333430e-01, v1  }
0xdc: {  	[tilespmem:s21+$0xFFFFFF20] =	vst v39  }
0xdd: {  	s1 =	simm.s32 $0x30;
	[tilespmem:s21+$0xFFFFFF60] =	vst v1  }
0xde: {  	v51 =	vmov v30;
	v30 =	vmov v0;
	v0 =	vld.idx.msk [tilespmem:v47+s1+$0x0], $0xffff;
	_ =	sdelay $0x2  }
0xdf: {  	v3 =	vadd.bf16 v4, v3;
	v4 =	vadd.bf16 v16, v5;
	v16 =	vld.idx.msk [tilespmem:v24+s10+$0x0], $0xffff  }
0xe0: {  	v54 =	vld [tilespmem:s17+$0xFFFFFFE0]  }
0xe1: {  	v39 =	vld.idx.msk [tilespmem:v51+s11+$0x0], $0xffff;
	[tilespmem:$0x1FF70] =	vst v0  }
0xe2: {  	v0 =	vld.idx.msk [tilespmem:v31+s18+$0x0], $0xffff;
	_ =	sdelay $0x4  }
0xe3: {  	s11 =	simm.s32 $0x4030;
	[tilespmem:$0x1FF80] =	vst v0  }
0xe4: {  	v0 =	vld.idx.msk [tilespmem:v25+s11+$0x0], $0xffff  }
0xe5: {  	v34 =	vmov v19;
	_ =	sdelay $0x3  }
0xe6: {  	s10 =	simm.s32 $0x6030;
	[tilespmem:$0x1FF90] =	vst v0  }
0xe7: {  	v1 =	vadd.bf16 v4, v3;
	v0 =	vld.idx.msk [tilespmem:v34+s10+$0x0], $0xffff;
	_ =	sdelay $0x1  }
0xe8: {  	v55 =	vadd.bf16 v49, v1;
	_ =	sdelay $0x1  }
0xe9: {  	v50 =	vmov v20;
	v20 =	vshll.u32 v55, $0x10  }
0xea: {  	[tilespmem:$0x1FFA0] =	vst v0;
	v0 =	vmul.f32 $3.333333430e-01, v20  }
0xeb: {  	s4 =	simm.s32 $0xA030  }
0xec: {  	[tilespmem:s16+$0xA0] =	vst v0;
	v0 =	vld.idx.msk [tilespmem:v33+s4+$0x0], $0xffff;
	_ =	sdelay $0x2  }
0xed: {  	s2 =	simm.s32 $0x8030  }
0xee: {  	v61 =	vld.idx.msk [tilespmem:v57+s2+$0x0], $0xffff  }
0xef: {  	s7 =	simm.s32 $0xC030;
	v63 =	vld.idx.msk [tilespmem:v46+s13+$0x0], $0xffff;
	[tilespmem:$0x1FFB0] =	vst v0  }
0xf0: {  	v0 =	vld.idx.msk [tilespmem:v35+s7+$0x0], $0xffff;
	_ =	sdelay $0x2  }
0xf1: {  	v19 =	vand.u32 $0xFFFF0000, v55  }
0xf2: {  	v19 =	vmul.f32 $3.333333430e-01, v19  }
0xf3: {  	[tilespmem:$0x1FFC0] =	vst v0  }
0xf4: {  	[tilespmem:s16+$0xE0] =	vst v19  }
0xf5: {  	v1 =	vld.idx.msk [tilespmem:v8+s1+$0x0], $0xffff;
	_ =	sdelay $0x2  }
0xf6: {  	v34 =	vshll.u32 v54, $0x6;
	v0 =	vimm.s32 $0x0  }
0xf7: {  	v0 =	vperm.xlane v34, v0  }
0xf8: {  	[tilespmem:$0x1FF30] =	vst v1  }
0xf9: {  	v19 =	vadd.s32 v60, v0;
	v0 =	vld.idx.msk [tilespmem:v14+s11+$0x0], $0xffff  }
0xfa: {  	v36 =	vadd.bf16 v43, v36;
	v15 =	vadd.bf16 v59, v15  }
0xfb: {  	v49 =	vadd.bf16 v42, v18;
	v46 =	vadd.bf16 v41, v37;
	_ =	sdelay $0x1  }
0xfc: {  	v15 =	vadd.bf16 v15, v36;
	v14 =	vadd.bf16 v49, v46  }
0xfd: {  	v3 =	vimm.s32 $0x3;
	v47 =	vld.idx.msk [tilespmem:v13+s18+$0x0], $0xffff;
	[tilespmem:$0x1FF40] =	vst v0  }
0xfe: {  	v54 =	vperm.xlane v34, v3;
	v8 =	vld.idx.msk [tilespmem:v11+s10+$0x0], $0xffff;
	v11 =	vadd.bf16 v15, v14  }
0xff: {  	v1 =	vimm.s32 $0x1;
	v51 =	vld.idx.msk [tilespmem:v23+s13+$0x0], $0xffff  }
0x100: {  	v20 =	vadd.s32 v60, v54;
	v45 =	vperm.xlane v34, v1;
	v55 =	vld [tilespmem:s17+$0xFFFFFFF0];
	v11 =	vadd.bf16 v63, v11  }
0x101: {  	v18 =	vld [tilespmem:s17+$0x0]  }
0x102: {  	v1 =	vadd.s32 v60, v45;
	v0 =	vimm.s32 $0x2;
	v15 =	vld.idx.msk [tilespmem:v10+s2+$0x0], $0xffff;
	v63 =	vshll.u32 v11, $0x10  }
0x103: {  	v10 =	vadd.bf16 v38, v17;
	v17 =	vld.idx.msk [tilespmem:v7+s4+$0x0], $0xffff;
	v7 =	vand.u32 $0xFFFF0000, v11;
	v11 =	vmul.f32 $3.333333430e-01, v63  }
0x104: {  	v0 =	vperm.xlane v34, v0;
	v35 =	vld.idx.msk [tilespmem:v19+s19+$0x0], $0xffff;
	v33 =	vmul.f32 $3.333333430e-01, v7  }
0x105: {  	v40 =	vld.idx.msk [tilespmem:v20+s22+$0x0], $0xffff;
	[tilespmem:s21+$0xFFFFFFA0] =	vst v11  }
0x106: {  	s1 =	simm.s32 $0x30;
	v14 =	vld.idx.msk [tilespmem:v9+s7+$0x0], $0xffff;
	v59 =	vadd.s32 v60, v0;
	[tilespmem:s21+$0xFFFFFFE0] =	vst v33  }
0x107: {  	v0 =	vld.idx.msk [tilespmem:v53+s1+$0x0], $0xffff  }
0x108: {  	v16 =	vadd.bf16 v39, v16;
	s13 =	simm.s32 $0x10030;
	v36 =	vld.idx.msk [tilespmem:v1+s20+$0x0], $0xffff  }
0x109: {  	v42 =	vld.idx.msk [tilespmem:v12+s13+$0x0], $0xffff  }
0x10a: {  	v10 =	vadd.bf16 v16, v10;
	v16 =	vld.idx.msk [tilespmem:v6+s14+$0x0], $0xffff  }
0x10b: {  	v41 =	vld.idx.msk [tilespmem:v59+s12+$0x0], $0xffff  }
0x10c: {  	v11 =	vld.idx.msk [tilespmem:v48+s14+$0x0], $0xffff;
	[tilespmem:$0x1FFD0] =	vst v0  }
0x10d: {  	v0 =	vld.idx.msk [tilespmem:v52+s18+$0x0], $0xffff;
	_ =	sdelay $0x3  }
0x10e: {  	v62 =	vadd.bf16 v62, v2;
	v57 =	vadd.bf16 v44, v56  }
0x10f: {  	s11 =	simm.s32 $0x4030;
	[tilespmem:$0x1FFE0] =	vst v0  }
0x110: {  	v9 =	vadd.bf16 v62, v57;
	v0 =	vld.idx.msk [tilespmem:v21+s11+$0x0], $0xffff;
	_ =	sdelay $0x1  }
0x111: {  	v9 =	vadd.bf16 v10, v9  }
0x112: {  	v24 =	vimm.s32 $0x0  }
0x113: {  	v44 =	vimm.s32 $0x4;
	v10 =	vadd.bf16 v51, v9;
	v21 =	vimm.s32 $0x5  }
0x114: {  	v3 =	vimm.s32 $0x6;
	v45 =	vperm.xlane v34, v44;
	s10 =	simm.s32 $0x6030;
	v23 =	vperm.xlane v34, v21;
	[tilespmem:$0x1FFF0] =	vst v0  }
0x115: {  	s2 =	simm.s32 $0x8030;
	v29 =	vshll.u32 v55, $0x6;
	v13 =	vshll.u32 v10, $0x10;
	v25 =	vand.u32 $0xFFFF0000, v10;
	v57 =	vld.idx.msk [tilespmem:v26+s10+$0x0], $0xffff  }
0x116: {  	s4 =	simm.s32 $0xA030;
	v13 =	vmul.f32 $3.333333430e-01, v13;
	v4 =	vadd.s32 v60, v23;
	v23 =	vperm.xlane v29, v24;
	v48 =	vld.idx.msk [tilespmem:v27+s2+$0x0], $0xffff  }
0x117: {  	v22 =	vadd.s32 v60, v45;
	s7 =	simm.s32 $0xC030;
	v31 =	vmul.f32 $3.333333430e-01, v25;
	v25 =	vimm.s32 $0x3;
	v10 =	vld.idx.msk [tilespmem:v28+s4+$0x0], $0xffff  }
0x118: {  	v0 =	vimm.s32 $0x7;
	v9 =	vadd.s32 v60, v23;
	v23 =	vperm.xlane v29, v25;
	[tilespmem:s21+$0x20] =	vst v13;
	v12 =	vld.idx.msk [tilespmem:v58+s7+$0x0], $0xffff  }
0x119: {  	v5 =	vimm.s32 $0x1;
	v26 =	vperm.xlane v34, v3;
	v46 =	vperm.xlane v34, v0;
	[tilespmem:s21+$0x60] =	vst v31;
	v63 =	vld.idx.msk [tilespmem:v50+s14+$0x0], $0xffff  }
0x11a: {  	v27 =	vperm.xlane v29, v5;
	v13 =	vimm.s32 $0x2;
	v2 =	vld.idx.msk [tilespmem:v32+s1+$0x0], $0xffff;
	v39 =	vadd.s32 v60, v23  }
0x11b: {  	v43 =	vimm.s32 $0x5;
	v28 =	vperm.xlane v29, v13;
	v62 =	vld.idx.msk [tilespmem:v30+s18+$0x0], $0xffff;
	v6 =	vadd.s32 v60, v26  }
0x11c: {  	v23 =	vperm.xlane v29, v21;
	v58 =	vadd.s32 v60, v46;
	v7 =	vadd.s32 v60, v27;
	v27 =	vld.idx.msk [tilespmem:v22+s23+$0x0], $0xffff  }
0x11d: {  	v18 =	vshll.u32 v18, $0x6;
	v30 =	vld.idx.msk [tilespmem:v4+s24+$0x0], $0xffff;
	v54 =	vadd.s32 v60, v28;
	v28 =	vperm.xlane v29, v44  }
0x11e: {  	v45 =	vperm.xlane v18, v24;
	v35 =	vadd.bf16 v36, v35;
	v52 =	vadd.s32 v60, v23;
	v33 =	vld.idx.msk [tilespmem:v9+s19+$0x0], $0xffff  }
0x11f: {  	v55 =	vadd.s32 v60, v28;
	v28 =	vperm.xlane v29, v3;
	v3 =	vimm.s32 $0x8;
	v36 =	vld.idx.msk [tilespmem:v39+s22+$0x0], $0xffff  }
0x120: {  	v49 =	vimm.s32 $0x4;
	v46 =	vperm.xlane v18, v13;
	v23 =	vperm.xlane v34, v3;
	v31 =	vld.idx.msk [tilespmem:v6+s25+$0x0], $0xffff  }
0x121: {  	v49 =	vperm.xlane v18, v49;
	v50 =	vld.idx.msk [tilespmem:v58+s26+$0x0], $0xffff;
	v56 =	vadd.s32 v60, v28;
	v28 =	vperm.xlane v29, v0  }
0x122: {  	v40 =	vadd.bf16 v40, v41;
	v34 =	vld.idx.msk [tilespmem:v7+s20+$0x0], $0xffff;
	v26 =	vadd.s32 v60, v23;
	v23 =	vadd.s32 v60, v46  }
0x123: {  	v38 =	vld.idx.msk [tilespmem:v54+s12+$0x0], $0xffff;
	v53 =	vadd.s32 v60, v28;
	v28 =	vperm.xlane v18, v5;
	v44 =	vmovc v23;
	v23 =	vimm.s32 $0x8  }
0x124: {  	v27 =	vadd.bf16 v30, v27;
	v30 =	vld.idx.msk [tilespmem:v52+s24+$0x0], $0xffff;
	v5 =	vadd.s32 v60, v45;
	v29 =	vperm.xlane v29, v23  }
0x125: {  	v24 =	vadd.s32 v60, v49;
	v3 =	vld.idx.msk [tilespmem:v55+s23+$0x0], $0xffff;
	v13 =	vadd.s32 v60, v28;
	v28 =	vperm.xlane v18, v25  }
0x126: {  	v0 =	vimm.s32 $0x7;
	v31 =	vadd.bf16 v50, v31;
	v50 =	vld.idx.msk [tilespmem:v56+s25+$0x0], $0xffff;
	v45 =	vadd.s32 v60, v29  }
0x127: {  	v29 =	vperm.xlane v18, v0;
	v25 =	vadd.s32 v60, v28;
	v28 =	vperm.xlane v18, v43;
	v51 =	vld.idx.msk [tilespmem:v26+s28+$0x0], $0xffff  }
0x128: {  	v35 =	vadd.bf16 v40, v35;
	v21 =	vimm.s32 $0x6;
	v32 =	vmovc v1;
	v27 =	vadd.bf16 v31, v27;
	v31 =	vld.idx.msk [tilespmem:v53+s26+$0x0], $0xffff  }
0x129: {  	v1 =	vld.idx.msk [tilespmem:v5+s19+$0x0], $0xffff;
	v43 =	vadd.s32 v60, v29;
	v41 =	vadd.s32 v60, v28;
	v28 =	vperm.xlane v18, v21  }
0x12a: {  	v18 =	vperm.xlane v18, v23;
	v27 =	vadd.bf16 v27, v35;
	v35 =	vld.idx.msk [tilespmem:v13+s20+$0x0], $0xffff  }
0x12b: {  	v21 =	vadd.s32 v60, v28;
	v28 =	vld.idx.msk [tilespmem:v44+s12+$0x0], $0xffff  }
0x12c: {  	v29 =	vmov v19;
	v19 =	vadd.s32 v60, v18;
	v18 =	vld.idx.msk [tilespmem:v24+s23+$0x0], $0xffff  }
0x12d: {  	v0 =	vld.idx.msk [tilespmem:v25+s22+$0x0], $0xffff  }
0x12e: {  	v3 =	vadd.bf16 v30, v3;
	v30 =	vadd.bf16 v31, v50;
	v50 =	vld.idx.msk [tilespmem:v43+s26+$0x0], $0xffff  }
0x12f: {  	v27 =	vadd.bf16 v51, v27;
	v31 =	vld.idx.msk [tilespmem:v41+s24+$0x0], $0xffff  }
0x130: {  	v3 =	vadd.bf16 v30, v3;
	v30 =	vld.idx.msk [tilespmem:v21+s25+$0x0], $0xffff  }
0x131: {  	v33 =	vadd.bf16 v34, v33;
	v40 =	vadd.bf16 v36, v38;
	v46 =	vshll.u32 v27, $0x10  }
0x132: {  	v27 =	vand.u32 $0xFFFF0000, v27;
	v36 =	vmul.f32 $3.333333430e-01, v46  }
0x133: {  	v33 =	vadd.bf16 v40, v33;
	v27 =	vmul.f32 $3.333333430e-01, v27  }
0x134: {  	v49 =	vld.idx.msk [tilespmem:v45+s28+$0x0], $0xffff;
	v1 =	vadd.bf16 v35, v1;
	[tilespmem:s16+$0xFFFFFF00] =	vst v36;
	v0 =	vadd.bf16 v0, v28  }
0x135: {  	[tilespmem:s16+$0xFFFFFF40] =	vst v27;
	v27 =	vld.idx.msk [tilespmem:v19+s28+$0x0], $0xffff;
	v18 =	vadd.bf16 v31, v18;
	v30 =	vadd.bf16 v50, v30  }
0x136: {  	v3 =	vadd.bf16 v3, v33;
	v51 =	vld.idx.msk [tilespmem:v29+s29+$0x0], $0xffff  }
0x137: {  	v36 =	vld.idx.msk [tilespmem:v32+s30+$0x0], $0xffff;
	v0 =	vadd.bf16 v0, v1;
	v1 =	vadd.bf16 v30, v18  }
0x138: {  	v40 =	vld.idx.msk [tilespmem:v59+s31+$0x0], $0xffff  }
0x139: {  	v3 =	vadd.bf16 v49, v3;
	v31 =	vld.idx.msk [tilespmem:v20+s0+$0x0], $0xffff;
	v0 =	vadd.bf16 v1, v0;
	_ =	sdelay $0x1  }
0x13a: {  	s3 =	simm.s32 $0x8010;
	v28 =	vshll.u32 v3, $0x10;
	v0 =	vadd.bf16 v27, v0  }
0x13b: {  	s4 =	simm.s32 $0x10010;
	v46 =	vld.idx.msk [tilespmem:v22+s3+$0x0], $0xffff;
	v3 =	vand.u32 $0xFFFF0000, v3;
	v28 =	vmul.f32 $3.333333430e-01, v28  }
0x13c: {  	s5 =	simm.s32 $0xA010;
	v35 =	vld.idx.msk [tilespmem:v26+s4+$0x0], $0xffff;
	v3 =	vmul.f32 $3.333333430e-01, v3;
	v33 =	vadd.bf16 v36, v51;
	v51 =	vshll.u32 v0, $0x10  }
0x13d: {  	s6 =	simm.s32 $0xC010;
	v49 =	vld.idx.msk [tilespmem:v4+s5+$0x0], $0xffff;
	[tilespmem:s16+$0xFFFFFF80] =	vst v28;
	v31 =	vadd.bf16 v31, v40;
	v0 =	vand.u32 $0xFFFF0000, v0;
	v40 =	vmul.f32 $3.333333430e-01, v51  }
0x13e: {  	s2 =	simm.s32 $0xE010;
	v50 =	vld.idx.msk [tilespmem:v6+s6+$0x0], $0xffff;
	[tilespmem:s16+$0xFFFFFFC0] =	vst v3;
	v0 =	vmul.f32 $3.333333430e-01, v0  }
0x13f: {  	v3 =	vld.idx.msk [tilespmem:v58+s2+$0x0], $0xffff;
	[tilespmem:s16+$0x0] =	vst v40  }
0x140: {  	v1 =	vld.idx.msk [tilespmem:v9+s29+$0x0], $0xffff;
	[tilespmem:s16+$0x40] =	vst v0  }
0x141: {  	v23 =	vld [tilespmem:$0x1FEB0]  }
0x142: {  	v34 =	vadd.bf16 v49, v46;
	v46 =	vld [tilespmem:$0x1FEC0]  }
0x143: {  	v28 =	vld.idx.msk [tilespmem:v7+s30+$0x0], $0xffff  }
0x144: {  	v30 =	vld.idx.msk [tilespmem:v39+s0+$0x0], $0xffff  }
0x145: {  	v38 =	vld.idx.msk [tilespmem:v55+s3+$0x0], $0xffff  }
0x146: {  	v49 =	vld [tilespmem:$0x1FEE0]  }
0x147: {  	v0 =	vadd.bf16 v31, v33;
	v33 =	vadd.bf16 v46, v23;
	v23 =	vld [tilespmem:$0x1FED0]  }
0x148: {  	v36 =	vld.idx.msk [tilespmem:v52+s5+$0x0], $0xffff  }
0x149: {  	v18 =	vld.idx.msk [tilespmem:v56+s6+$0x0], $0xffff  }
0x14a: {  	v27 =	vld.idx.msk [tilespmem:v54+s31+$0x0], $0xffff  }
0x14b: {  	v3 =	vadd.bf16 v3, v50;
	v50 =	vld [tilespmem:$0x1FF00]  }
0x14c: {  	v37 =	vadd.bf16 v49, v23;
	v23 =	vld [tilespmem:$0x1FEF0]  }
0x14d: {  	v3 =	vadd.bf16 v3, v34;
	v31 =	vld.idx.msk [tilespmem:v53+s2+$0x0], $0xffff  }
0x14e: {  	v34 =	vld.idx.msk [tilespmem:v5+s29+$0x0], $0xffff  }
0x14f: {  	v51 =	vld [tilespmem:$0x1FF20];
	v0 =	vadd.bf16 v3, v0  }
0x150: {  	v1 =	vadd.bf16 v28, v1;
	v27 =	vadd.bf16 v30, v27;
	v28 =	vld.idx.msk [tilespmem:v24+s3+$0x0], $0xffff  }
0x151: {  	v0 =	vadd.bf16 v35, v0;
	v50 =	vadd.bf16 v50, v23;
	v23 =	vld [tilespmem:$0x1FF10]  }
0x152: {  	v3 =	vld.idx.msk [tilespmem:v13+s30+$0x0], $0xffff  }
0x153: {  	v30 =	vadd.bf16 v36, v38;
	v1 =	vadd.bf16 v27, v1;
	v27 =	vld.idx.msk [tilespmem:v21+s6+$0x0], $0xffff;
	v40 =	vshll.u32 v0, $0x10  }
0x154: {  	v35 =	vld.idx.msk [tilespmem:v25+s0+$0x0], $0xffff;
	v18 =	vadd.bf16 v31, v18;
	v0 =	vand.u32 $0xFFFF0000, v0;
	v36 =	vmul.f32 $3.333333430e-01, v40  }
0x155: {  	s10 =	simm.s32 $0xE010;
	v31 =	vld.idx.msk [tilespmem:v41+s5+$0x0], $0xffff;
	v0 =	vmul.f32 $3.333333430e-01, v0  }
0x156: {  	v18 =	vadd.bf16 v18, v30;
	v30 =	vld.idx.msk [tilespmem:v43+s10+$0x0], $0xffff;
	[tilespmem:s16+$0xFFFFFF10] =	vst v36;
	v46 =	vadd.bf16 v51, v23  }
0x157: {  	v49 =	vld.idx.msk [tilespmem:v45+s4+$0x0], $0xffff;
	[tilespmem:s16+$0xFFFFFF50] =	vst v0  }
0x158: {  	v46 =	vadd.bf16 v46, v50;
	v50 =	vmov v4;
	v4 =	vld [tilespmem:$0x1FF30]  }
0x159: {  	s11 =	simm.s32 $0x10010;
	v51 =	vld.idx.msk [tilespmem:v44+s31+$0x0], $0xffff  }
0x15a: {  	s13 =	simm.s32 $0x6020;
	v1 =	vadd.bf16 v18, v1;
	v0 =	vld.idx.msk [tilespmem:v19+s11+$0x0], $0xffff  }
0x15b: {  	v28 =	vadd.bf16 v31, v28;
	v31 =	vld.idx.msk [tilespmem:v20+s13+$0x0], $0xffff  }
0x15c: {  	v33 =	vadd.bf16 v37, v33;
	v1 =	vadd.bf16 v49, v1;
	v49 =	vld.idx.msk [tilespmem:v22+s9+$0x0], $0xffff  }
0x15d: {  	v27 =	vadd.bf16 v30, v27;
	v40 =	vadd.bf16 v47, v4;
	v4 =	vld [tilespmem:$0x1FF40]  }
0x15e: {  	v30 =	vshll.u32 v1, $0x10;
	v33 =	vadd.bf16 v46, v33;
	v46 =	vadd.bf16 v35, v51;
	v35 =	vld.idx.msk [tilespmem:v59+s15+$0x0], $0xffff  }
0x15f: {  	s12 =	simm.s32 $0x2020;
	v37 =	vmov v59;
	v51 =	vmov v5;
	v59 =	vmul.f32 $3.333333430e-01, v30;
	v5 =	vld [tilespmem:$0x1FF50]  }
0x160: {  	s14 =	simm.s32 $0xA020;
	v1 =	vand.u32 $0xFFFF0000, v1;
	v23 =	vld.idx.msk [tilespmem:v32+s12+$0x0], $0xffff  }
0x161: {  	s8 =	simm.s32 $0x20;
	v15 =	vadd.bf16 v17, v15;
	v1 =	vmul.f32 $3.333333430e-01, v1;
	v17 =	vld.idx.msk [tilespmem:v50+s14+$0x0], $0xffff;
	[tilespmem:s16+$0xFFFFFF90] =	vst v59  }
0x162: {  	s18 =	simm.s32 $0xC020;
	v4 =	vadd.bf16 v8, v4;
	v8 =	vld.idx.msk [tilespmem:v29+s8+$0x0], $0xffff;
	[tilespmem:$0x1FF60] =	vst v6  }
0x163: {  	v38 =	vmov v22;
	v22 =	vld.idx.msk [tilespmem:v6+s18+$0x0], $0xffff;
	[tilespmem:s16+$0xFFFFFFD0] =	vst v1  }
0x164: {  	v33 =	vadd.bf16 v5, v33;
	v5 =	vld [tilespmem:$0x1FF70]  }
0x165: {  	v6 =	vld [tilespmem:$0x1FF80];
	_ =	sdelay $0x4  }
0x166: {  	v4 =	vadd.bf16 v4, v40;
	v40 =	vadd.bf16 v6, v5;
	v5 =	vld [tilespmem:$0x1FF90]  }
0x167: {  	v6 =	vld [tilespmem:$0x1FFA0];
	_ =	sdelay $0x4  }
0x168: {  	v5 =	vadd.bf16 v6, v5;
	v6 =	vld [tilespmem:$0x1FFB0];
	_ =	sdelay $0x4  }
0x169: {  	v59 =	vadd.bf16 v6, v61;
	v6 =	vld [tilespmem:$0x1FFC0];
	_ =	sdelay $0x1  }
0x16a: {  	v3 =	vadd.bf16 v3, v34  }
0x16b: {  	v14 =	vadd.bf16 v16, v14;
	v16 =	vld.idx.msk [tilespmem:v9+s8+$0x0], $0xffff  }
0x16c: {  	v27 =	vadd.bf16 v27, v28;
	v3 =	vadd.bf16 v46, v3;
	v46 =	vmovc v26;
	v26 =	vmov v9;
	v9 =	vld [tilespmem:$0x1FFE0]  }
0x16d: {  	v11 =	vadd.bf16 v11, v6;
	v6 =	vld [tilespmem:$0x1FFD0]  }
0x16e: {  	s19 =	simm.s32 $0xE020;
	v3 =	vadd.bf16 v27, v3  }
0x16f: {  	v1 =	vld.idx.msk [tilespmem:v58+s19+$0x0], $0xffff  }
0x170: {  	v0 =	vadd.bf16 v0, v3;
	v3 =	vld.idx.msk [tilespmem:v7+s12+$0x0], $0xffff  }
0x171: {  	v18 =	vld.idx.msk [tilespmem:v54+s15+$0x0], $0xffff  }
0x172: {  	v14 =	vadd.bf16 v14, v15;
	v28 =	vmovc v7;
	v7 =	vshll.u32 v0, $0x10;
	v6 =	vadd.bf16 v9, v6;
	v9 =	vld [tilespmem:$0x1FFF0]  }
0x173: {  	v47 =	vmov v19;
	v0 =	vand.u32 $0xFFFF0000, v0;
	v19 =	vld.idx.msk [tilespmem:v55+s9+$0x0], $0xffff;
	v7 =	vmul.f32 $3.333333430e-01, v7  }
0x174: {  	v10 =	vadd.bf16 v10, v48;
	v0 =	vmul.f32 $3.333333430e-01, v0;
	v4 =	vadd.bf16 v14, v4;
	v61 =	vld.idx.msk [tilespmem:v52+s14+$0x0], $0xffff  }
0x175: {  	v36 =	vmov v20;
	v20 =	vld.idx.msk [tilespmem:v39+s13+$0x0], $0xffff;
	v8 =	vadd.bf16 v23, v8;
	v5 =	vadd.bf16 v5, v40;
	[tilespmem:s16+$0x10] =	vst v7  }
0x176: {  	s22 =	simm.s32 $0x6020;
	v11 =	vadd.bf16 v11, v59;
	v7 =	vadd.bf16 v63, v12;
	v63 =	vld.idx.msk [tilespmem:v56+s18+$0x0], $0xffff;
	[tilespmem:s16+$0x50] =	vst v0  }
0x177: {  	s23 =	simm.s32 $0xA020;
	v4 =	vadd.bf16 v42, v4;
	v42 =	vld.idx.msk [tilespmem:v25+s22+$0x0], $0xffff;
	v9 =	vadd.bf16 v57, v9  }
0x178: {  	v16 =	vadd.bf16 v3, v16;
	v48 =	vadd.bf16 v11, v5;
	v11 =	vand.u32 $0xFFFF0000, v33;
	v3 =	vld.idx.msk [tilespmem:v41+s23+$0x0], $0xffff  }
0x179: {  	v19 =	vadd.bf16 v61, v19;
	v11 =	vmul.f32 $3.333333430e-01, v11;
	v5 =	vadd.bf16 v9, v6;
	v6 =	vld.idx.msk [tilespmem:v53+s19+$0x0], $0xffff  }
0x17a: {  	s20 =	simm.s32 $0x2020;
	v61 =	vand.u32 $0xFFFF0000, v4;
	v0 =	vadd.bf16 v7, v10;
	v7 =	vld.idx.msk [tilespmem:v51+s8+$0x0], $0xffff;
	v9 =	vadd.bf16 v31, v35  }
0x17b: {  	s25 =	simm.s32 $0xE020;
	v40 =	vadd.bf16 v62, v2;
	v62 =	vmul.f32 $3.333333430e-01, v61;
	v10 =	vld.idx.msk [tilespmem:v13+s20+$0x0], $0xffff;
	[tilespmem:s21+$0xF0] =	vst v11;
	v11 =	vshll.u32 v4, $0x10  }
0x17c: {  	v4 =	vld.idx.msk [tilespmem:v43+s25+$0x0], $0xffff;
	s26 =	rddreg [dreg:$0xd];
	v8 =	vadd.bf16 v9, v8;
	v9 =	vadd.bf16 v1, v22;
	v1 =	vshll.u32 v33, $0x10  }
0x17d: {  	s28 =	smul.u32 $0xE000, s26;
	v35 =	vmovc v13;
	v13 =	vld.idx.msk [tilespmem:v44+s15+$0x0], $0xffff;
	v57 =	vadd.bf16 v0, v5;
	v5 =	vadd.bf16 v17, v49;
	v49 =	vmul.f32 $3.333333430e-01, v1  }
0x17e: {  	s24 =	simm.s32 $0xC020;
	v59 =	vadd.bf16 v20, v18;
	[tilespmem:s16+$0xF0] =	vst v62;
	v0 =	vld.idx.msk [tilespmem:v24+s9+$0x0], $0xffff;
	v6 =	vadd.bf16 v6, v63;
	v63 =	vmul.f32 $3.333333430e-01, v11  }
0x17f: {  	s29 =	simm.s32 $0x10020;
	s18 =	sshrl.u32 s28, $0x2;
	v1 =	vld.idx.msk [tilespmem:v21+s24+$0x0], $0xffff;
	v5 =	vadd.bf16 v9, v5;
	[tilespmem:s21+$0xB0] =	vst v49  }
0x180: {  	s31 =	sadd.s32 $0x12E80, s18;
	v9 =	vadd.bf16 v59, v16;
	v11 =	vld.idx.msk [tilespmem:v46+s29+$0x0], $0xffff;
	v6 =	vadd.bf16 v6, v19;
	[tilespmem:s16+$0xB0] =	vst v63  }
0x181: {  	s30 =	simm.s32 $0x10020;
	v7 =	vadd.bf16 v10, v7;
	v5 =	vadd.bf16 v5, v8;
	v8 =	vld.idx.msk [tilespmem:v45+s29+$0x0], $0xffff;
	[dreg:$0xc] =	wrdreg s31  }
0x182: {  	v30 =	vmovc v43;
	v31 =	vmov v45;
	s18 =	simm.s32 $0x4;
	s19 =	sadd.s32 $0x40, s17;
	s17 =	smov.u32 s16;
	v10 =	vadd.bf16 v42, v13;
	v9 =	vadd.bf16 v6, v9;
	v6 =	vld.idx.msk [tilespmem:v47+s30+$0x0], $0xffff  }
.LBB2_3:
0x183: {  	_ =	sdelay $0x2  }
0x184: {  	v0 =	vadd.bf16 v3, v0;
	v1 =	vadd.bf16 v4, v1  }
0x185: {  	v3 =	vadd.bf16 v10, v7;
	v7 =	vld [tilespmem:s19+$0xFFFFFFF0]  }
0x186: {  	v0 =	vadd.bf16 v1, v0;
	v1 =	vld [tilespmem:$0x1FE60];
	_ =	sdelay $0x4  }
0x187: {  	[tilespmem:$0x1FCC0] =	vst v37;
	v37 =	vshll.u32 v7, $0x6;
	v7 =	vld [tilespmem:$0x1FDB0];
	_ =	sdelay $0x1  }
0x188: {  	s5 =	simm.s32 $0x4030  }
0x189: {  	v1 =	vld.idx.msk [tilespmem:v1+s5+$0x0], $0xffff  }
0x18a: {  	[tilespmem:$0x1FC60] =	vst v40  }
0x18b: {  	[tilespmem:$0x1FCF0] =	vst v50  }
0x18c: {  	[tilespmem:$0x1FCA0] =	vst v29  }
0x18d: {  	[tilespmem:$0x1FCD0] =	vst v36;
	s14 =	simm.s32 $0x10030;
	v5 =	vadd.bf16 v11, v5  }
0x18e: {  	v7 =	vld.idx.msk [tilespmem:v7+s14+$0x0], $0xffff;
	[tilespmem:$0x1FC00] =	vst v1;
	v1 =	vmov v44  }
0x18f: {  	[tilespmem:$0x1FE60] =	vst v1;
	v1 =	vshll.u32 v5, $0x10  }
0x190: {  	[tilespmem:$0x1FBE0] =	vst v1;
	v1 =	vand.u32 $0xFFFF0000, v5  }
0x191: {  	[tilespmem:$0x1FBF0] =	vst v1;
	v1 =	vld [tilespmem:$0x1FE70]  }
0x192: {  	[tilespmem:$0x1FCE0] =	vst v38;
	v12 =	vld [tilespmem:s19+$0x10]  }
0x193: {  	[tilespmem:$0x1FC70] =	vst v7;
	v7 =	vld [tilespmem:$0x1FE30]  }
0x194: {  	[tilespmem:$0x1FD10] =	vst v26;
	v5 =	vld [tilespmem:$0x1FE90]  }
0x195: {  	[tilespmem:$0x1FD20] =	vst v28;
	v4 =	vld [tilespmem:s19+$0xFFFFFFE0]  }
0x196: {  	[tilespmem:$0x1FD00] =	vst v58  }
0x197: {  	[tilespmem:$0x1FD70] =	vst v56  }
0x198: {  	[tilespmem:$0x1FD80] =	vst v53;
	s7 =	simm.s32 $0x6030;
	v33 =	vadd.bf16 v0, v3;
	v0 =	vld [tilespmem:$0x1FE80]  }
0x199: {  	[tilespmem:$0x1FD30] =	vst v54;
	v15 =	vimm.s32 $0x1;
	v1 =	vld.idx.msk [tilespmem:v1+s7+$0x0], $0xffff  }
0x19a: {  	[tilespmem:$0x1FD40] =	vst v39;
	v34 =	vadd.bf16 v8, v9;
	v8 =	vshll.u32 v12, $0x6;
	v39 =	vshll.u32 v4, $0x6;
	v4 =	vld [tilespmem:$0x1FEA0]  }
0x19b: {  	[tilespmem:$0x1FD90] =	vst v51;
	v14 =	vimm.s32 $0x0;
	s9 =	simm.s32 $0xA030;
	v29 =	vimm.s32 $0x2;
	v3 =	vperm.xlane v8, v15;
	v7 =	vld.idx.msk [tilespmem:v7+s14+$0x0], $0xffff  }
0x19c: {  	[tilespmem:$0x1FD50] =	vst v55;
	v18 =	vimm.s32 $0x3;
	v16 =	vimm.s32 $0x4;
	v17 =	vimm.s32 $0x5;
	v2 =	vld.idx.msk [tilespmem:v5+s9+$0x0], $0xffff;
	v5 =	vmovc v41  }
0x19d: {  	v54 =	vadd.s32 v60, v3;
	v3 =	vperm.xlane v8, v18;
	v9 =	vperm.xlane v39, v29;
	[tilespmem:$0x1FE90] =	vst v5  }
0x19e: {  	v59 =	vimm.s32 $0x6;
	v12 =	vperm.xlane v39, v18;
	v13 =	vperm.xlane v39, v16;
	v5 =	vld [tilespmem:$0x1FDC0];
	[tilespmem:$0x1FC10] =	vst v1;
	v1 =	vmovc v25  }
0x19f: {  	v42 =	vperm.xlane v39, v17;
	v58 =	vadd.s32 v60, v3;
	[tilespmem:$0x1FE70] =	vst v1;
	v1 =	vperm.xlane v8, v14  }
0x1a0: {  	s12 =	simm.s32 $0x8030;
	v28 =	vmov v47;
	v43 =	vperm.xlane v39, v59;
	v3 =	vperm.xlane v8, v17;
	[tilespmem:$0x1FC80] =	vst v7;
	v7 =	vld [tilespmem:$0x1FE40]  }
0x1a1: {  	s10 =	simm.s32 $0xC030;
	v47 =	vimm.s32 $0x7;
	v36 =	vmovc v48;
	v0 =	vld.idx.msk [tilespmem:v0+s12+$0x0], $0xffff;
	[tilespmem:$0x1FC30] =	vst v2;
	v2 =	vadd.s32 v60, v1;
	v1 =	vperm.xlane v8, v29  }
0x1a2: {  	v45 =	vperm.xlane v39, v47;
	v48 =	vperm.xlane v37, v15;
	v62 =	vadd.s32 v60, v3;
	v4 =	vld.idx.msk [tilespmem:v4+s10+$0x0], $0xffff  }
0x1a3: {  	[tilespmem:$0x1FD60] =	vst v52;
	s20 =	simm.s32 $0x6000;
	v10 =	vld [tilespmem:s19+$0x0];
	v51 =	vperm.xlane v37, v29;
	v55 =	vadd.s32 v60, v1;
	v1 =	vperm.xlane v8, v16  }
0x1a4: {  	[tilespmem:$0x1FDA0] =	vst v35;
	s23 =	simm.s32 $0x2000;
	v35 =	vmov v57;
	v53 =	vperm.xlane v37, v18;
	v57 =	vperm.xlane v37, v16;
	v56 =	vld.idx.msk [tilespmem:v58+s20+$0x0], $0xffff  }
0x1a5: {  	s0 =	simm.s32 $0xE030;
	v19 =	vperm.xlane v37, v17;
	v44 =	vld.idx.msk [tilespmem:v54+s23+$0x0], $0xffff;
	v52 =	vadd.s32 v60, v1;
	v1 =	vperm.xlane v8, v59  }
0x1a6: {  	s1 =	simm.s32 $0xA000;
	v22 =	vperm.xlane v37, v47;
	v3 =	vperm.xlane v8, v47;
	[tilespmem:$0x1FC20] =	vst v0;
	v5 =	vld.idx.msk [tilespmem:v5+s0+$0x0], $0xffff  }
0x1a7: {  	v50 =	vmovc v46;
	v0 =	vmov v24;
	v24 =	vld.idx.msk [tilespmem:v62+s1+$0x0], $0xffff;
	[tilespmem:$0x1FC40] =	vst v4;
	v4 =	vmov v21;
	v63 =	vadd.s32 v60, v1  }
0x1a8: {  	s30 =	simm.s32 $0x0;
	v38 =	vshll.u32 v10, $0x6;
	[tilespmem:$0x1FEA0] =	vst v4;
	v4 =	vperm.xlane v39, v14;
	v7 =	vld.idx.msk [tilespmem:v7+s14+$0x0], $0xffff;
	v1 =	vadd.s32 v60, v3  }
0x1a9: {  	s22 =	simm.s32 $0x4000;
	v23 =	vperm.xlane v38, v15;
	v46 =	vperm.xlane v38, v18;
	v11 =	vadd.s32 v60, v9;
	v41 =	vld.idx.msk [tilespmem:v2+s30+$0x0], $0xffff  }
0x1aa: {  	s13 =	simm.s32 $0x8000;
	v9 =	vadd.s32 v60, v12;
	v12 =	vadd.s32 v60, v43;
	v4 =	vadd.s32 v60, v4;
	v49 =	vld.idx.msk [tilespmem:v55+s22+$0x0], $0xffff  }
0x1ab: {  	v27 =	vimm.s32 $0x8;
	s8 =	simm.s32 $0xC000;
	v48 =	vadd.s32 v60, v48;
	[tilespmem:$0x1FC50] =	vst v5;
	v5 =	vperm.xlane v39, v15;
	v20 =	vld.idx.msk [tilespmem:v52+s13+$0x0], $0xffff  }
0x1ac: {  	s3 =	simm.s32 $0xE000;
	v51 =	vadd.s32 v60, v51;
	v3 =	vperm.xlane v8, v27;
	v8 =	vadd.s32 v60, v13;
	v26 =	vld.idx.msk [tilespmem:v63+s8+$0x0], $0xffff  }
0x1ad: {  	[tilespmem:$0x1FE80] =	vst v0;
	v0 =	vperm.xlane v37, v14;
	v10 =	vadd.s32 v60, v5;
	v61 =	vld.idx.msk [tilespmem:v1+s3+$0x0], $0xffff  }
0x1ae: {  	v53 =	vadd.s32 v60, v53;
	v43 =	vld.idx.msk [tilespmem:v11+s22+$0x0], $0xffff;
	v21 =	vperm.xlane v37, v59;
	v25 =	vperm.xlane v38, v14  }
0x1af: {  	v40 =	vld.idx.msk [tilespmem:v4+s30+$0x0], $0xffff;
	v14 =	vperm.xlane v38, v16;
	v29 =	vperm.xlane v38, v29;
	v5 =	vadd.s32 v60, v3  }
0x1b0: {  	v15 =	vperm.xlane v38, v17;
	v17 =	vld.idx.msk [tilespmem:v9+s20+$0x0], $0xffff;
	v13 =	vadd.s32 v60, v42;
	v3 =	vadd.s32 v60, v45  }
0x1b1: {  	v45 =	vperm.xlane v38, v47;
	v41 =	vadd.bf16 v44, v41;
	v47 =	vld.idx.msk [tilespmem:v8+s13+$0x0], $0xffff;
	v44 =	vadd.bf16 v56, v49  }
0x1b2: {  	[tilespmem:$0x1FC90] =	vst v7;
	v7 =	vmov v2;
	v2 =	vld.idx.msk [tilespmem:v10+s23+$0x0], $0xffff;
	v20 =	vadd.bf16 v24, v20;
	v24 =	vadd.bf16 v61, v26  }
0x1b3: {  	s2 =	simm.s32 $0x10000;
	v16 =	vperm.xlane v38, v59;
	v59 =	vadd.s32 v60, v0;
	v56 =	vadd.s32 v60, v19;
	v19 =	vld.idx.msk [tilespmem:v12+s8+$0x0], $0xffff  }
0x1b4: {  	v49 =	vadd.s32 v60, v21;
	v18 =	vld.idx.msk [tilespmem:v5+s2+$0x0], $0xffff;
	v21 =	vadd.bf16 v44, v41;
	v20 =	vadd.bf16 v24, v20  }
0x1b5: {  	v0 =	vadd.s32 v60, v23;
	v42 =	vadd.s32 v60, v25;
	v25 =	vadd.s32 v60, v46;
	v26 =	vld.idx.msk [tilespmem:v13+s1+$0x0], $0xffff  }
0x1b6: {  	v61 =	vadd.s32 v60, v22;
	v22 =	vld.idx.msk [tilespmem:v3+s3+$0x0], $0xffff;
	v24 =	vadd.s32 v60, v14;
	v14 =	vadd.bf16 v20, v21  }
0x1b7: {  	v21 =	vadd.s32 v60, v16;
	v16 =	vadd.s32 v60, v45;
	v45 =	vadd.bf16 v2, v40;
	v2 =	vld [tilespmem:$0x1FBE0]  }
0x1b8: {  	v46 =	vperm.xlane v39, v27;
	v17 =	vadd.bf16 v17, v43;
	v44 =	vadd.s32 v60, v29  }
0x1b9: {  	[tilespmem:$0x1FCB0] =	vst v32;
	v29 =	vperm.xlane v37, v27;
	v37 =	vperm.xlane v38, v27;
	v14 =	vadd.bf16 v18, v14  }
0x1ba: {  	v32 =	vld.idx.msk [tilespmem:v51+s22+$0x0], $0xffff;
	v41 =	vadd.s32 v60, v15;
	v15 =	vadd.s32 v60, v46;
	v26 =	vadd.bf16 v26, v47  }
0x1bb: {  	v38 =	vld.idx.msk [tilespmem:v53+s20+$0x0], $0xffff;
	v19 =	vadd.bf16 v22, v19;
	v18 =	vadd.s32 v60, v37;
	v46 =	vshll.u32 v14, $0x10  }
0x1bc: {  	v23 =	vld.idx.msk [tilespmem:v59+s30+$0x0], $0xffff;
	v14 =	vand.u32 $0xFFFF0000, v14;
	v40 =	vmul.f32 $3.333333430e-01, v46;
	v37 =	vmul.f32 $3.333333430e-01, v2;
	v2 =	vmovc v31  }
0x1bd: {  	s16 =	sadd.s32 $0x200, s16;
	v14 =	vmul.f32 $3.333333430e-01, v14;
	[tilespmem:$0x1FE30] =	vst v2;
	v2 =	vld [tilespmem:$0x1FBF0]  }
0x1be: {  	v43 =	vmovc v16;
	v47 =	vmov v50;
	v16 =	vadd.bf16 v17, v45;
	v50 =	vadd.bf16 v19, v26;
	[tilespmem:s16+$0x80] =	vst v40  }
0x1bf: {  	s31 =	simm.s32 $0x10;
	v57 =	vadd.s32 v60, v57;
	v20 =	vld.idx.msk [tilespmem:v48+s23+$0x0], $0xffff;
	[tilespmem:s16+$0xC0] =	vst v14  }
0x1c0: {  	v46 =	vmov v15;
	v15 =	vadd.bf16 v50, v16;
	v16 =	vadd.bf16 v38, v32;
	v32 =	vld.idx.msk [tilespmem:v7+s31+$0x0], $0xffff  }
0x1c1: {  	v40 =	vmov v7;
	v7 =	vld [tilespmem:$0x1FC10]  }
0x1c2: {  	v38 =	vmul.f32 $3.333333430e-01, v2;
	v2 =	vld [tilespmem:$0x1FC00];
	_ =	sdelay $0x1  }
0x1c3: {  	v6 =	vadd.bf16 v6, v33  }
0x1c4: {  	v39 =	vld.idx.msk [tilespmem:v57+s13+$0x0], $0xffff;
	v20 =	vadd.bf16 v20, v23;
	v23 =	vshll.u32 v34, $0x10  }
0x1c5: {  	v22 =	vld.idx.msk [tilespmem:v56+s1+$0x0], $0xffff;
	v50 =	vmul.f32 $3.333333430e-01, v23;
	v23 =	vshll.u32 v6, $0x10  }
0x1c6: {  	[tilespmem:s17+$0xFFFFFF60] =	vst v38;
	v38 =	vmul.f32 $3.333333430e-01, v23;
	v23 =	vadd.bf16 v7, v2;
	v2 =	vld [tilespmem:$0x1FC20]  }
0x1c7: {  	v7 =	vld [tilespmem:$0x1FC30];
	_ =	sdelay $0x1  }
0x1c8: {  	v34 =	vand.u32 $0xFFFF0000, v34  }
0x1c9: {  	v17 =	vld.idx.msk [tilespmem:v49+s8+$0x0], $0xffff;
	[tilespmem:s17+$0xFFFFFF20] =	vst v37;
	v37 =	vadd.bf16 v22, v39;
	v22 =	vmul.f32 $3.333333430e-01, v34  }
0x1ca: {  	v19 =	vld.idx.msk [tilespmem:v61+s3+$0x0], $0xffff  }
0x1cb: {  	[tilespmem:s17+$0xFFFFFFE0] =	vst v22;
	v22 =	vadd.bf16 v7, v2;
	v2 =	vld [tilespmem:$0x1FC40]  }
0x1cc: {  	v7 =	vld [tilespmem:$0x1FC50];
	_ =	sdelay $0x4  }
0x1cd: {  	v39 =	vadd.bf16 v7, v2;
	v2 =	vld [tilespmem:$0x1FC60];
	_ =	sdelay $0x4  }
0x1ce: {  	v23 =	vadd.bf16 v23, v2;
	v2 =	vld [tilespmem:$0x1FC70];
	_ =	sdelay $0x1  }
0x1cf: {  	s15 =	simm.s32 $0x2010;
	v29 =	vadd.s32 v60, v29;
	v26 =	vld.idx.msk [tilespmem:v42+s30+$0x0], $0xffff;
	v6 =	vand.u32 $0xFFFF0000, v6  }
0x1d0: {  	s26 =	simm.s32 $0x6010;
	v45 =	vmov v29;
	v29 =	vld.idx.msk [tilespmem:v54+s15+$0x0], $0xffff;
	v6 =	vmul.f32 $3.333333430e-01, v6  }
0x1d1: {  	v33 =	vld.idx.msk [tilespmem:v58+s26+$0x0], $0xffff  }
0x1d2: {  	s24 =	simm.s32 $0x8010;
	v27 =	vmov v30;
	[tilespmem:s17+$0x60] =	vst v6;
	v6 =	vadd.bf16 v2, v36;
	v2 =	vld [tilespmem:$0x1FC80]  }
0x1d3: {  	s6 =	simm.s32 $0xA010;
	[tilespmem:$0x1FDC0] =	vst v27;
	v17 =	vadd.bf16 v19, v17;
	v19 =	vld.idx.msk [tilespmem:v52+s24+$0x0], $0xffff  }
0x1d4: {  	s4 =	simm.s32 $0xC010;
	[tilespmem:$0x1FDB0] =	vst v47;
	v34 =	vld.idx.msk [tilespmem:v62+s6+$0x0], $0xffff  }
0x1d5: {  	v47 =	vmov v18;
	v18 =	vld.idx.msk [tilespmem:v63+s4+$0x0], $0xffff;
	[tilespmem:s17+$0x20] =	vst v38  }
0x1d6: {  	v27 =	vmov v28;
	[tilespmem:s17+$0xFFFFFFA0] =	vst v50;
	v50 =	vld.idx.msk [tilespmem:v0+s23+$0x0], $0xffff  }
0x1d7: {  	s11 =	simm.s32 $0xE010;
	[tilespmem:$0x1FE40] =	vst v27;
	v27 =	vadd.bf16 v2, v35;
	v2 =	vmov v0;
	v0 =	vld [tilespmem:$0x1FC90]  }
0x1d8: {  	s29 =	simm.s32 $0x4010;
	v28 =	vld.idx.msk [tilespmem:v1+s11+$0x0], $0xffff;
	v14 =	vadd.bf16 v39, v22  }
0x1d9: {  	v16 =	vadd.bf16 v16, v20;
	v20 =	vld.idx.msk [tilespmem:v55+s29+$0x0], $0xffff  }
0x1da: {  	v14 =	vadd.bf16 v14, v23;
	_ =	sdelay $0x1  }
0x1db: {  	v22 =	vshll.u32 v6, $0x10;
	v14 =	vadd.bf16 v0, v14;
	v0 =	vld [tilespmem:$0x1FCA0]  }
0x1dc: {  	v29 =	vadd.bf16 v29, v32;
	v19 =	vadd.bf16 v34, v19;
	v22 =	vmul.f32 $3.333333430e-01, v22  }
0x1dd: {  	v18 =	vadd.bf16 v28, v18;
	v20 =	vadd.bf16 v33, v20;
	v36 =	vld.idx.msk [tilespmem:v41+s1+$0x0], $0xffff;
	s1 =	simm.s32 $0x10010  }
0x1de: {  	[tilespmem:s21+$0xFFFFFF30] =	vst v22;
	v22 =	vld.idx.msk [tilespmem:v5+s1+$0x0], $0xffff  }
0x1df: {  	v18 =	vadd.bf16 v18, v19;
	v20 =	vadd.bf16 v20, v29;
	v6 =	vand.u32 $0xFFFF0000, v6  }
0x1e0: {  	v6 =	vmul.f32 $3.333333430e-01, v6  }
0x1e1: {  	v18 =	vadd.bf16 v18, v20  }
0x1e2: {  	s0 =	simm.s32 $0x30;
	[tilespmem:s21+$0xFFFFFF70] =	vst v6  }
0x1e3: {  	v18 =	vadd.bf16 v22, v18;
	v22 =	vld.idx.msk [tilespmem:v0+s0+$0x0], $0xffff  }
0x1e4: {  	v0 =	vld [tilespmem:$0x1FCB0];
	_ =	sdelay $0x4  }
0x1e5: {  	v17 =	vadd.bf16 v17, v37;
	_ =	sdelay $0x1  }
0x1e6: {  	v16 =	vadd.bf16 v17, v16;
	v17 =	vadd.bf16 v50, v26;
	v26 =	vld.idx.msk [tilespmem:v43+s3+$0x0], $0xffff;
	s3 =	simm.s32 $0x2030  }
0x1e7: {  	v7 =	vld.idx.msk [tilespmem:v0+s3+$0x0], $0xffff  }
0x1e8: {  	v0 =	vld [tilespmem:$0x1FCC0];
	_ =	sdelay $0x2  }
0x1e9: {  	v28 =	vld.idx.msk [tilespmem:v21+s8+$0x0], $0xffff;
	_ =	sdelay $0x4  }
0x1ea: {  	v32 =	vmov v10;
	v10 =	vadd.bf16 v26, v28;
	v26 =	vld.idx.msk [tilespmem:v0+s5+$0x0], $0xffff  }
0x1eb: {  	v0 =	vld [tilespmem:$0x1FCD0]  }
0x1ec: {  	v30 =	vld.idx.msk [tilespmem:v44+s22+$0x0], $0xffff  }
0x1ed: {  	v23 =	vld.idx.msk [tilespmem:v25+s20+$0x0], $0xffff;
	v31 =	vshll.u32 v27, $0x10  }
0x1ee: {  	v27 =	vand.u32 $0xFFFF0000, v27;
	v31 =	vmul.f32 $3.333333430e-01, v31  }
0x1ef: {  	v35 =	vld.idx.msk [tilespmem:v24+s13+$0x0], $0xffff;
	v27 =	vmul.f32 $3.333333430e-01, v27;
	v6 =	vshll.u32 v14, $0x10  }
0x1f0: {  	[tilespmem:s21+$0xFFFFFFB0] =	vst v31;
	v6 =	vmul.f32 $3.333333430e-01, v6  }
0x1f1: {  	v50 =	vld.idx.msk [tilespmem:v46+s2+$0x0], $0xffff;
	[tilespmem:s21+$0xFFFFFFF0] =	vst v27;
	v14 =	vand.u32 $0xFFFF0000, v14  }
0x1f2: {  	v23 =	vadd.bf16 v23, v30;
	v14 =	vmul.f32 $3.333333430e-01, v14;
	[tilespmem:s21+$0x30] =	vst v6;
	v6 =	vld.idx.msk [tilespmem:v45+s2+$0x0], $0xffff  }
0x1f3: {  	v19 =	vld.idx.msk [tilespmem:v0+s7+$0x0], $0xffff  }
0x1f4: {  	v17 =	vadd.bf16 v23, v17;
	v20 =	vadd.bf16 v36, v35;
	v23 =	vshll.u32 v18, $0x10;
	[tilespmem:s21+$0x70] =	vst v14;
	v0 =	vld [tilespmem:$0x1FCE0]  }
0x1f5: {  	v18 =	vand.u32 $0xFFFF0000, v18;
	v35 =	vmul.f32 $3.333333430e-01, v23;
	v14 =	vld.idx.msk [tilespmem:v47+s2+$0x0], $0xffff  }
0x1f6: {  	v37 =	vmovc v11;
	v36 =	vmovc v9;
	v11 =	vadd.bf16 v50, v15;
	v9 =	vadd.bf16 v10, v20;
	v10 =	vmul.f32 $3.333333430e-01, v18  }
0x1f7: {  	[tilespmem:s16+$0x90] =	vst v35  }
0x1f8: {  	v38 =	vmovc v8;
	v8 =	vshll.u32 v11, $0x10;
	v11 =	vand.u32 $0xFFFF0000, v11;
	v9 =	vadd.bf16 v9, v17;
	[tilespmem:s16+$0xD0] =	vst v10;
	s2 =	simm.s32 $0x20  }
0x1f9: {  	s30 =	simm.s32 $0x2020;
	v10 =	vmul.f32 $3.333333430e-01, v11;
	v11 =	vld.idx.msk [tilespmem:v40+s2+$0x0], $0xffff;
	v6 =	vadd.bf16 v6, v16  }
0x1fa: {  	v9 =	vadd.bf16 v14, v9;
	v14 =	vld.idx.msk [tilespmem:v54+s30+$0x0], $0xffff  }
0x1fb: {  	v39 =	vshll.u32 v6, $0x10;
	v33 =	vand.u32 $0xFFFF0000, v6;
	v6 =	vld [tilespmem:$0x1FF60]  }
0x1fc: {  	v16 =	vld.idx.msk [tilespmem:v0+s12+$0x0], $0xffff  }
0x1fd: {  	s8 =	simm.s32 $0x4020;
	v0 =	vld [tilespmem:$0x1FCF0]  }
0x1fe: {  	s25 =	simm.s32 $0xA020;
	v17 =	vld.idx.msk [tilespmem:v55+s8+$0x0], $0xffff;
	v34 =	vmul.f32 $3.333333430e-01, v39  }
0x1ff: {  	s20 =	simm.s32 $0xC020;
	v50 =	vmov v13;
	v13 =	vld.idx.msk [tilespmem:v62+s25+$0x0], $0xffff;
	v35 =	vmul.f32 $3.333333430e-01, v33  }
0x200: {  	s22 =	simm.s32 $0x10020;
	[tilespmem:s16+$0xFFFFFF80] =	vst v34;
	v34 =	vld.idx.msk [tilespmem:v63+s20+$0x0], $0xffff  }
0x201: {  	[tilespmem:s16+$0xFFFFFFC0] =	vst v35;
	v11 =	vadd.bf16 v14, v11;
	v14 =	vld.idx.msk [tilespmem:v5+s22+$0x0], $0xffff  }
0x202: {  	v29 =	vmov v4;
	v18 =	vld.idx.msk [tilespmem:v57+s24+$0x0], $0xffff  }
0x203: {  	s13 =	simm.s32 $0x8020;
	v8 =	vmul.f32 $3.333333430e-01, v8;
	v6 =	vld.idx.msk [tilespmem:v6+s10+$0x0], $0xffff  }
0x204: {  	v39 =	vadd.bf16 v19, v26;
	v19 =	vld.idx.msk [tilespmem:v52+s13+$0x0], $0xffff  }
0x205: {  	s28 =	simm.s32 $0x6020;
	v15 =	vld.idx.msk [tilespmem:v0+s9+$0x0], $0xffff;
	[tilespmem:s16+$0xFFFFFF00] =	vst v8  }
0x206: {  	v7 =	vadd.bf16 v7, v22;
	[tilespmem:s16+$0xFFFFFF40] =	vst v10;
	v8 =	vshll.u32 v9, $0x10;
	v9 =	vand.u32 $0xFFFF0000, v9;
	v10 =	vld.idx.msk [tilespmem:v58+s28+$0x0], $0xffff  }
0x207: {  	v9 =	vmul.f32 $3.333333430e-01, v9;
	v35 =	vld.idx.msk [tilespmem:v29+s31+$0x0], $0xffff  }
0x208: {  	s23 =	simm.s32 $0xE020;
	v7 =	vadd.bf16 v39, v7;
	v39 =	vld.idx.msk [tilespmem:v32+s15+$0x0], $0xffff  }
0x209: {  	[tilespmem:s16+$0x40] =	vst v9;
	v9 =	vld.idx.msk [tilespmem:v1+s23+$0x0], $0xffff  }
0x20a: {  	v27 =	vmov v12;
	v33 =	vmul.f32 $3.333333430e-01, v8;
	v20 =	vld.idx.msk [tilespmem:v36+s26+$0x0], $0xffff  }
0x20b: {  	v22 =	vld.idx.msk [tilespmem:v38+s24+$0x0], $0xffff  }
0x20c: {  	[tilespmem:s16+$0x0] =	vst v33;
	v33 =	vld.idx.msk [tilespmem:v37+s29+$0x0], $0xffff  }
0x20d: {  	v13 =	vadd.bf16 v13, v19;
	v23 =	vld.idx.msk [tilespmem:v24+s24+$0x0], $0xffff  }
0x20e: {  	v26 =	vld.idx.msk [tilespmem:v41+s6+$0x0], $0xffff;
	v10 =	vadd.bf16 v10, v17;
	v9 =	vadd.bf16 v9, v34  }
0x20f: {  	v8 =	vadd.bf16 v15, v16;
	v17 =	vld.idx.msk [tilespmem:v27+s4+$0x0], $0xffff  }
0x210: {  	v15 =	vld.idx.msk [tilespmem:v51+s29+$0x0], $0xffff;
	v10 =	vadd.bf16 v10, v11;
	v9 =	vadd.bf16 v9, v13  }
0x211: {  	v34 =	vld.idx.msk [tilespmem:v50+s6+$0x0], $0xffff  }
0x212: {  	v11 =	vld.idx.msk [tilespmem:v3+s11+$0x0], $0xffff;
	v9 =	vadd.bf16 v9, v10  }
0x213: {  	v35 =	vadd.bf16 v39, v35;
	v39 =	vadd.bf16 v20, v33;
	v33 =	vld.idx.msk [tilespmem:v59+s31+$0x0], $0xffff  }
0x214: {  	v20 =	vld.idx.msk [tilespmem:v49+s4+$0x0], $0xffff;
	v9 =	vadd.bf16 v14, v9  }
0x215: {  	v10 =	vld.idx.msk [tilespmem:v48+s15+$0x0], $0xffff  }
0x216: {  	v13 =	vadd.bf16 v39, v35;
	v12 =	vadd.bf16 v34, v22;
	v34 =	vld.idx.msk [tilespmem:v53+s26+$0x0], $0xffff;
	v35 =	vshll.u32 v9, $0x10  }
0x217: {  	v39 =	vld.idx.msk [tilespmem:v56+s6+$0x0], $0xffff;
	v11 =	vadd.bf16 v11, v17;
	v9 =	vand.u32 $0xFFFF0000, v9;
	v19 =	vmul.f32 $3.333333430e-01, v35  }
0x218: {  	v22 =	vld.idx.msk [tilespmem:v25+s26+$0x0], $0xffff;
	v9 =	vmul.f32 $3.333333430e-01, v9  }
0x219: {  	v11 =	vadd.bf16 v11, v12;
	v12 =	vld.idx.msk [tilespmem:v61+s11+$0x0], $0xffff;
	[tilespmem:s16+$0xA0] =	vst v19  }
0x21a: {  	v10 =	vadd.bf16 v10, v33;
	v33 =	vld.idx.msk [tilespmem:v42+s31+$0x0], $0xffff;
	[tilespmem:s16+$0xE0] =	vst v9  }
0x21b: {  	v9 =	vadd.bf16 v11, v13;
	v11 =	vadd.bf16 v34, v15;
	v34 =	vld.idx.msk [tilespmem:v40+s0+$0x0], $0xffff  }
0x21c: {  	v35 =	vld.idx.msk [tilespmem:v54+s3+$0x0], $0xffff  }
0x21d: {  	v40 =	vld.idx.msk [tilespmem:v58+s7+$0x0], $0xffff  }
0x21e: {  	v54 =	vld.idx.msk [tilespmem:v52+s12+$0x0], $0xffff  }
0x21f: {  	s31 =	simm.s32 $0xE030;
	v19 =	vld.idx.msk [tilespmem:v62+s9+$0x0], $0xffff  }
0x220: {  	v1 =	vld.idx.msk [tilespmem:v1+s31+$0x0], $0xffff  }
0x221: {  	v10 =	vadd.bf16 v11, v10;
	v11 =	vld.idx.msk [tilespmem:v55+s5+$0x0], $0xffff  }
0x222: {  	v55 =	vld.idx.msk [tilespmem:v63+s10+$0x0], $0xffff  }
0x223: {  	v39 =	vadd.bf16 v39, v18;
	v12 =	vadd.bf16 v12, v20;
	v58 =	vld.idx.msk [tilespmem:v2+s15+$0x0], $0xffff  }
0x224: {  	v20 =	vld.idx.msk [tilespmem:v44+s29+$0x0], $0xffff  }
0x225: {  	v5 =	vld.idx.msk [tilespmem:v5+s14+$0x0], $0xffff;
	v12 =	vadd.bf16 v12, v39  }
0x226: {  	v30 =	vmov v2;
	v2 =	vld [tilespmem:$0x1FD10];
	v13 =	vadd.bf16 v35, v34;
	v62 =	vadd.bf16 v19, v54  }
0x227: {  	v63 =	vld.idx.msk [tilespmem:v21+s4+$0x0], $0xffff;
	v11 =	vadd.bf16 v40, v11;
	v1 =	vadd.bf16 v1, v55  }
0x228: {  	v39 =	vld.idx.msk [tilespmem:v45+s1+$0x0], $0xffff;
	v10 =	vadd.bf16 v12, v10;
	v12 =	vadd.bf16 v58, v33  }
0x229: {  	v33 =	vld.idx.msk [tilespmem:v43+s11+$0x0], $0xffff;
	v11 =	vadd.bf16 v11, v13;
	v1 =	vadd.bf16 v1, v62  }
0x22a: {  	v19 =	vld [tilespmem:$0x1FD30]  }
0x22b: {  	v34 =	vld.idx.msk [tilespmem:v46+s1+$0x0], $0xffff;
	v1 =	vadd.bf16 v1, v11  }
0x22c: {  	v40 =	vadd.bf16 v26, v23;
	v26 =	vmov v59;
	v59 =	vld [tilespmem:$0x1FDA0]  }
0x22d: {  	v1 =	vadd.bf16 v5, v1;
	v5 =	vld [tilespmem:$0x1FD00]  }
0x22e: {  	v4 =	vadd.bf16 v33, v63;
	v33 =	vld [tilespmem:$0x1FD40]  }
0x22f: {  	v58 =	vmov v3;
	v3 =	vld.idx.msk [tilespmem:v2+s0+$0x0], $0xffff  }
0x230: {  	v63 =	vld [tilespmem:$0x1FD20];
	v62 =	vshll.u32 v1, $0x10;
	v1 =	vand.u32 $0xFFFF0000, v1  }
0x231: {  	v35 =	vadd.bf16 v22, v20;
	v11 =	vld.idx.msk [tilespmem:v47+s1+$0x0], $0xffff;
	v1 =	vmul.f32 $3.333333430e-01, v1  }
0x232: {  	v0 =	vadd.bf16 v34, v9;
	v13 =	vld.idx.msk [tilespmem:v19+s5+$0x0], $0xffff;
	v9 =	vmul.f32 $3.333333430e-01, v62  }
0x233: {  	v12 =	vadd.bf16 v35, v12;
	v4 =	vadd.bf16 v4, v40;
	[tilespmem:s16+$0xF0] =	vst v1;
	v1 =	vld [tilespmem:$0x1FD50]  }
0x234: {  	v34 =	vshll.u32 v0, $0x10;
	[tilespmem:s16+$0xB0] =	vst v9;
	v9 =	vld [tilespmem:$0x1FD60]  }
0x235: {  	v0 =	vand.u32 $0xFFFF0000, v0;
	v35 =	vmul.f32 $3.333333430e-01, v34;
	v4 =	vadd.bf16 v4, v12;
	v5 =	vld.idx.msk [tilespmem:v5+s31+$0x0], $0xffff  }
0x236: {  	v0 =	vmul.f32 $3.333333430e-01, v0;
	v14 =	vld.idx.msk [tilespmem:v33+s7+$0x0], $0xffff  }
0x237: {  	v4 =	vadd.bf16 v11, v4;
	v11 =	vld [tilespmem:$0x1FD80];
	[tilespmem:s16+$0xFFFFFF10] =	vst v35  }
0x238: {  	v15 =	vld.idx.msk [tilespmem:v63+s3+$0x0], $0xffff;
	[tilespmem:s16+$0xFFFFFF50] =	vst v0  }
0x239: {  	v10 =	vadd.bf16 v39, v10;
	v39 =	vmov v53;
	v53 =	vmov v61;
	v61 =	vld.idx.msk [tilespmem:v29+s2+$0x0], $0xffff  }
0x23a: {  	v5 =	vadd.bf16 v5, v6;
	v6 =	vld [tilespmem:$0x1FD70]  }
0x23b: {  	v55 =	vmov v57;
	v57 =	vadd.bf16 v14, v13;
	v13 =	vld.idx.msk [tilespmem:v59+s3+$0x0], $0xffff  }
0x23c: {  	v1 =	vld.idx.msk [tilespmem:v1+s12+$0x0], $0xffff  }
0x23d: {  	v5 =	vadd.bf16 v5, v8;
	v8 =	vld [tilespmem:$0x1FD90]  }
0x23e: {  	s31 =	simm.s32 $0xE030;
	v9 =	vld.idx.msk [tilespmem:v9+s9+$0x0], $0xffff  }
0x23f: {  	v17 =	vshll.u32 v10, $0x10;
	v11 =	vld.idx.msk [tilespmem:v11+s31+$0x0], $0xffff  }
0x240: {  	v28 =	vmovc v48;
	v10 =	vand.u32 $0xFFFF0000, v10;
	v40 =	vmul.f32 $3.333333430e-01, v17;
	v48 =	vadd.bf16 v5, v7;
	v5 =	vld.idx.msk [tilespmem:v32+s30+$0x0], $0xffff  }
0x241: {  	v10 =	vmul.f32 $3.333333430e-01, v10;
	v7 =	vld.idx.msk [tilespmem:v37+s8+$0x0], $0xffff  }
0x242: {  	v54 =	vmov v51;
	v51 =	vmov v42;
	v0 =	vshll.u32 v4, $0x10;
	v6 =	vld.idx.msk [tilespmem:v6+s10+$0x0], $0xffff;
	[tilespmem:s16+$0xFFFFFF90] =	vst v40  }
0x243: {  	v4 =	vand.u32 $0xFFFF0000, v4;
	v0 =	vmul.f32 $3.333333430e-01, v0;
	v1 =	vadd.bf16 v9, v1;
	v9 =	vld.idx.msk [tilespmem:v50+s25+$0x0], $0xffff;
	[tilespmem:s16+$0xFFFFFFD0] =	vst v10  }
0x244: {  	v4 =	vmul.f32 $3.333333430e-01, v4;
	v10 =	vld.idx.msk [tilespmem:v55+s13+$0x0], $0xffff  }
0x245: {  	v8 =	vld.idx.msk [tilespmem:v8+s0+$0x0], $0xffff;
	[tilespmem:s16+$0x10] =	vst v0  }
0x246: {  	v0 =	vld.idx.msk [tilespmem:v36+s28+$0x0], $0xffff;
	[tilespmem:s16+$0x50] =	vst v4  }
0x247: {  	v62 =	vld.idx.msk [tilespmem:v51+s2+$0x0], $0xffff  }
0x248: {  	v63 =	vld.idx.msk [tilespmem:v44+s8+$0x0], $0xffff;
	v4 =	vadd.bf16 v11, v6  }
0x249: {  	v3 =	vadd.bf16 v15, v3;
	v6 =	vld.idx.msk [tilespmem:v38+s13+$0x0], $0xffff  }
0x24a: {  	v1 =	vadd.bf16 v4, v1;
	v4 =	vld.idx.msk [tilespmem:v27+s20+$0x0], $0xffff  }
0x24b: {  	v52 =	vmov v56;
	v3 =	vadd.bf16 v57, v3;
	v40 =	vadd.bf16 v13, v8;
	v8 =	vld.idx.msk [tilespmem:v58+s23+$0x0], $0xffff  }
0x24c: {  	v56 =	vmov v49;
	v0 =	vadd.bf16 v0, v7;
	v7 =	vld.idx.msk [tilespmem:v54+s8+$0x0], $0xffff  }
0x24d: {  	v57 =	vadd.bf16 v1, v3;
	v1 =	vld.idx.msk [tilespmem:v26+s2+$0x0], $0xffff  }
0x24e: {  	v3 =	vld.idx.msk [tilespmem:v28+s30+$0x0], $0xffff  }
0x24f: {  	v35 =	vmov v30;
	v6 =	vadd.bf16 v9, v6;
	v9 =	vld.idx.msk [tilespmem:v39+s28+$0x0], $0xffff  }
0x250: {  	v5 =	vadd.bf16 v5, v61;
	v4 =	vadd.bf16 v8, v4;
	v8 =	vld.idx.msk [tilespmem:v52+s25+$0x0], $0xffff  }
0x251: {  	v11 =	vld.idx.msk [tilespmem:v56+s20+$0x0], $0xffff  }
0x252: {  	v0 =	vadd.bf16 v0, v5;
	v4 =	vadd.bf16 v4, v6;
	v6 =	vld.idx.msk [tilespmem:v53+s23+$0x0], $0xffff  }
0x253: {  	v1 =	vadd.bf16 v3, v1;
	v3 =	vld.idx.msk [tilespmem:v41+s25+$0x0], $0xffff  }
0x254: {  	v5 =	vadd.bf16 v4, v0;
	v0 =	vadd.bf16 v9, v7;
	v7 =	vld.idx.msk [tilespmem:v35+s30+$0x0], $0xffff  }
0x255: {  	s18 =	sadd.s32 $0x4, s18;
	v4 =	vadd.bf16 v8, v10;
	v10 =	vld.idx.msk [tilespmem:v25+s28+$0x0], $0xffff  }
0x256: {  	p1 =	slt.u32 s18, $0x6C;
	v8 =	vld.idx.msk [tilespmem:v45+s22+$0x0], $0xffff  }
.Ltmp0:
0x257: {  	v9 =	vadd.bf16 v0, v1;
	v0 =	vld.idx.msk [tilespmem:v24+s13+$0x0], $0xffff;
	v6 =	vadd.bf16 v6, v11;
	(pc) =	sbr.rel @p1 .LBB2_3-.Ltmp0, $4  }
0x258: {  	v1 =	vld.idx.msk [tilespmem:v21+s20+$0x0], $0xffff  }
0x259: {  	v11 =	vld.idx.msk [tilespmem:v46+s22+$0x0], $0xffff;
	v6 =	vadd.bf16 v6, v4  }
0x25a: {  	v31 =	vmov v45;
	v4 =	vld.idx.msk [tilespmem:v43+s23+$0x0], $0xffff;
	v7 =	vadd.bf16 v7, v62  }
0x25b: {  	s19 =	sadd.s32 $0x40, s19;
	s21 =	smov.u32 s17;
	s17 =	smov.u32 s16;
	[tilespmem:$0x1FF60] =	vst v27;
	v30 =	vmov v43;
	v10 =	vadd.bf16 v10, v63;
	v9 =	vadd.bf16 v6, v9;
	v6 =	vld.idx.msk [tilespmem:v47+s22+$0x0], $0xffff  }
0x25c: {  	v12 =	vld [tilespmem:$0x1FE60]  }
0x25d: {  	v13 =	vld [tilespmem:$0x1FE70]  }
0x25e: {  	v45 =	vld [tilespmem:$0x1FE80]  }
0x25f: {  	v14 =	vld [tilespmem:$0x1FE90]  }
0x260: {  	v16 =	vld [tilespmem:$0x1FEA0]  }
0x261: {  	v17 =	vld [tilespmem:$0x1FDC0]  }
0x262: {  	v18 =	vld [tilespmem:$0x1FDB0]  }
0x263: {  	s2 =	simm.s32 $0x4030;
	v2 =	vld [tilespmem:$0x1FE30]  }
0x264: {  	s3 =	simm.s32 $0x6030;
	v12 =	vld.idx.msk [tilespmem:v12+s2+$0x0], $0xffff  }
0x265: {  	s6 =	simm.s32 $0x8030;
	v13 =	vld.idx.msk [tilespmem:v13+s3+$0x0], $0xffff  }
0x266: {  	s4 =	simm.s32 $0xA030;
	v5 =	vadd.bf16 v11, v5;
	v11 =	vld.idx.msk [tilespmem:v45+s6+$0x0], $0xffff  }
0x267: {  	s5 =	simm.s32 $0xC030;
	v14 =	vld.idx.msk [tilespmem:v14+s4+$0x0], $0xffff  }
0x268: {  	s8 =	simm.s32 $0xE030;
	v15 =	vshll.u32 v5, $0x10;
	v16 =	vld.idx.msk [tilespmem:v16+s5+$0x0], $0xffff  }
0x269: {  	s7 =	simm.s32 $0x10030;
	v5 =	vand.u32 $0xFFFF0000, v5;
	v15 =	vmul.f32 $3.333333430e-01, v15;
	v17 =	vld.idx.msk [tilespmem:v17+s8+$0x0], $0xffff  }
0x26a: {  	v5 =	vmul.f32 $3.333333430e-01, v5;
	v18 =	vld.idx.msk [tilespmem:v18+s7+$0x0], $0xffff  }
0x26b: {  	[tilespmem:s17+$0xFFFFFF20] =	vst v15;
	v19 =	vld.idx.msk [tilespmem:v2+s7+$0x0], $0xffff  }
0x26c: {  	s0 =	simm.s32 $0x30;
	v15 =	vld [tilespmem:$0x1FE40];
	[tilespmem:s17+$0xFFFFFF60] =	vst v5  }
0x26d: {  	s1 =	simm.s32 $0x2030;
	v8 =	vadd.bf16 v8, v9;
	v5 =	vld.idx.msk [tilespmem:v29+s0+$0x0], $0xffff  }
0x26e: {  	v49 =	vld.idx.msk [tilespmem:v32+s1+$0x0], $0xffff  }
0x26f: {  	v0 =	vadd.bf16 v3, v0;
	v3 =	vshll.u32 v8, $0x10;
	v20 =	vld.idx.msk [tilespmem:v37+s2+$0x0], $0xffff  }
0x270: {  	v1 =	vadd.bf16 v4, v1;
	v3 =	vmul.f32 $3.333333430e-01, v3;
	v4 =	vld.idx.msk [tilespmem:v36+s3+$0x0], $0xffff  }
0x271: {  	v8 =	vand.u32 $0xFFFF0000, v8;
	v22 =	vld.idx.msk [tilespmem:v38+s6+$0x0], $0xffff  }
0x272: {  	v7 =	vadd.bf16 v10, v7;
	v0 =	vadd.bf16 v1, v0;
	v1 =	vmul.f32 $3.333333430e-01, v8;
	[tilespmem:s17+$0xFFFFFFA0] =	vst v3;
	v8 =	vld.idx.msk [tilespmem:v50+s4+$0x0], $0xffff  }
0x273: {  	v3 =	vld [tilespmem:$0x1FF60]  }
0x274: {  	v0 =	vadd.bf16 v0, v7;
	[tilespmem:s17+$0xFFFFFFE0] =	vst v1;
	v1 =	vld.idx.msk [tilespmem:v58+s8+$0x0], $0xffff  }
0x275: {  	v7 =	vld.idx.msk [tilespmem:v26+s0+$0x0], $0xffff  }
0x276: {  	v0 =	vadd.bf16 v6, v0;
	v6 =	vld.idx.msk [tilespmem:v28+s1+$0x0], $0xffff  }
0x277: {  	v50 =	vld.idx.msk [tilespmem:v54+s2+$0x0], $0xffff  }
0x278: {  	v54 =	vld.idx.msk [tilespmem:v39+s3+$0x0], $0xffff;
	v23 =	vshll.u32 v0, $0x10  }
0x279: {  	v27 =	vld.idx.msk [tilespmem:v55+s6+$0x0], $0xffff;
	v0 =	vand.u32 $0xFFFF0000, v0;
	v23 =	vmul.f32 $3.333333430e-01, v23  }
0x27a: {  	v55 =	vld.idx.msk [tilespmem:v52+s4+$0x0], $0xffff;
	v0 =	vmul.f32 $3.333333430e-01, v0  }
0x27b: {  	v58 =	vld.idx.msk [tilespmem:v56+s5+$0x0], $0xffff;
	[tilespmem:s17+$0x20] =	vst v23  }
0x27c: {  	[tilespmem:s17+$0x60] =	vst v0;
	v0 =	vld.idx.msk [tilespmem:v53+s8+$0x0], $0xffff  }
0x27d: {  	v11 =	vadd.bf16 v14, v11;
	v14 =	vld.idx.msk [tilespmem:v51+s0+$0x0], $0xffff  }
0x27e: {  	v12 =	vadd.bf16 v13, v12;
	v13 =	vadd.bf16 v17, v16;
	v16 =	vld.idx.msk [tilespmem:v35+s1+$0x0], $0xffff  }
0x27f: {  	v17 =	vadd.bf16 v18, v48;
	v3 =	vld.idx.msk [tilespmem:v3+s5+$0x0], $0xffff  }
0x280: {  	v18 =	vadd.bf16 v19, v57;
	v11 =	vadd.bf16 v13, v11;
	v13 =	vld.idx.msk [tilespmem:v44+s2+$0x0], $0xffff  }
0x281: {  	v5 =	vadd.bf16 v49, v5;
	v4 =	vadd.bf16 v4, v20;
	v59 =	vld.idx.msk [tilespmem:v25+s3+$0x0], $0xffff  }
0x282: {  	v8 =	vadd.bf16 v8, v22;
	v12 =	vadd.bf16 v12, v40;
	v61 =	vld.idx.msk [tilespmem:v30+s8+$0x0], $0xffff  }
0x283: {  	v6 =	vadd.bf16 v6, v7;
	v7 =	vadd.bf16 v54, v50;
	v15 =	vld.idx.msk [tilespmem:v15+s7+$0x0], $0xffff  }
0x284: {  	v4 =	vadd.bf16 v4, v5;
	v5 =	vld.idx.msk [tilespmem:v21+s5+$0x0], $0xffff;
	v1 =	vadd.bf16 v1, v3  }
0x285: {  	v20 =	vadd.bf16 v55, v27;
	v11 =	vadd.bf16 v11, v12;
	v12 =	vld.idx.msk [tilespmem:v41+s4+$0x0], $0xffff  }
0x286: {  	v19 =	vshll.u32 v17, $0x10;
	v6 =	vadd.bf16 v7, v6;
	v3 =	vld.idx.msk [tilespmem:v24+s6+$0x0], $0xffff;
	v1 =	vadd.bf16 v1, v8  }
0x287: {  	v17 =	vand.u32 $0xFFFF0000, v17;
	v0 =	vadd.bf16 v0, v58;
	v9 =	vadd.bf16 v59, v13  }
0x288: {  	v19 =	vmul.f32 $3.333333430e-01, v19;
	v11 =	vadd.bf16 v15, v11;
	v1 =	vadd.bf16 v1, v4;
	v4 =	vld.idx.msk [tilespmem:v46+s7+$0x0], $0xffff  }
0x289: {  	v15 =	vmul.f32 $3.333333430e-01, v17;
	v0 =	vadd.bf16 v0, v20;
	v8 =	vshll.u32 v18, $0x10  }
0x28a: {  	v5 =	vadd.bf16 v61, v5;
	v7 =	vmul.f32 $3.333333430e-01, v8;
	v8 =	vadd.bf16 v16, v14;
	v14 =	vld.idx.msk [tilespmem:v31+s7+$0x0], $0xffff  }
0x28b: {  	v62 =	vshll.u32 v11, $0x10;
	v0 =	vadd.bf16 v0, v6;
	v3 =	vadd.bf16 v12, v3  }
0x28c: {  	[tilespmem:s21+$0xFFFFFF30] =	vst v19;
	v6 =	vld.idx.msk [tilespmem:v47+s7+$0x0], $0xffff;
	v63 =	vand.u32 $0xFFFF0000, v11;
	v18 =	vand.u32 $0xFFFF0000, v18;
	v8 =	vadd.bf16 v9, v8  }
0x28d: {  	[tilespmem:s21+$0xFFFFFF70] =	vst v15;
	v13 =	vmul.f32 $3.333333430e-01, v18;
	v3 =	vadd.bf16 v5, v3;
	v1 =	vadd.bf16 v4, v1  }
0x28e: {  	[tilespmem:s21+$0xFFFFFFB0] =	vst v7;
	v5 =	vmul.f32 $3.333333430e-01, v63;
	v4 =	vmul.f32 $3.333333430e-01, v62  }
0x28f: {  	[tilespmem:s21+$0xFFFFFFF0] =	vst v13;
	v0 =	vadd.bf16 v14, v0;
	v3 =	vadd.bf16 v3, v8;
	v7 =	vshll.u32 v1, $0x10  }
0x290: {  	[tilespmem:s21+$0x30] =	vst v4;
	v1 =	vand.u32 $0xFFFF0000, v1;
	v4 =	vmul.f32 $3.333333430e-01, v7  }
0x291: {  	s26 =	simm.s32 $0x0;
	p0 =	por !p0, !p0;
	[tilespmem:s21+$0x70] =	vst v5;
	v5 =	vshll.u32 v0, $0x10;
	v3 =	vadd.bf16 v6, v3;
	v1 =	vmul.f32 $3.333333430e-01, v1  }
0x292: {  	s19 =	simm.s32 $0x0;
	s20 =	simm.s32 $0x2000;
	s12 =	simm.s32 $0x4000;
	v0 =	vand.u32 $0xFFFF0000, v0;
	v5 =	vmul.f32 $3.333333430e-01, v5;
	[tilespmem:s17+$0xFFFFFF30] =	vst v4  }
0x293: {  	s22 =	simm.s32 $0x6000;
	s28 =	simm.s32 $0x10000;
	s29 =	simm.s32 $0x10;
	v0 =	vmul.f32 $3.333333430e-01, v0;
	[tilespmem:s17+$0xFFFFFF70] =	vst v1;
	v1 =	vshll.u32 v3, $0x10  }
0x294: {  	s30 =	simm.s32 $0x2010;
	s31 =	simm.s32 $0x4010;
	v3 =	vand.u32 $0xFFFF0000, v3;
	s23 =	rddreg [dreg:$0xa];
	[tilespmem:s17+$0xFFFFFFB0] =	vst v5;
	v1 =	vmul.f32 $3.333333430e-01, v1  }
0x295: {  	s10 =	simm.s32 $0xA010;
	s9 =	simm.s32 $0x20;
	s11 =	simm.s32 $0xA020;
	[tilespmem:s17+$0xFFFFFFF0] =	vst v0;
	v0 =	vmul.f32 $3.333333430e-01, v3  }
0x296: {  	s0 =	simm.s32 $0x6010;
	s2 =	simm.s32 $0x8010;
	s18 =	rddreg [dreg:$0x5];
	[tilespmem:s17+$0x30] =	vst v1  }
0x297: {  	s8 =	simm.s32 $0x10010;
	s1 =	simm.s32 $0x2020;
	s3 =	simm.s32 $0x8020;
	[tilespmem:s17+$0x70] =	vst v0  }
0x298: {  	s4 =	simm.s32 $0xC010;
	s15 =	smul.u32 $0x70, s23;
	s14 =	rddreg [dreg:$0x9]  }
0x299: {  	s5 =	simm.s32 $0x4020;
	s6 =	simm.s32 $0x6020;
	p1 =	sne.s32 s14, $0x10  }
.Ltmp1:
0x29a: {  	s15 =	sadd.s32 s18, s15;
	s16 =	rddreg [dreg:$0x4];
	(pc) =	sbr.rel @p1 .LBB2_2-.Ltmp1, $4  }
0x29b: {  	s7 =	simm.s32 $0xE010;
	s24 =	rddreg [dreg:$0xb];
	s15 =	sshll.u32 s15, $0x4  }
0x29c: {  	v2 =	vlaneseq.u32;
	v19 =	vimm.s32 $0x8;
	s23 =	simm.s32 $0x8000;
	s25 =	rddreg [dreg:$0xc];
	s15 =	sadd.s32 s16, s15  }
0x29d: {  	v12 =	vimm.s32 $0x5;
	v13 =	vimm.s32 $0x7;
	v6 =	vimm.s32 $0x3;
	[hbm4b:s15+s26] =	stream.linear.scatter [tilespmem:s25], [sflag:s24], $0x3800, $0x38;
	[tilespmem:$0x19E80] =	vst v63  }
0x29e: {  	v7 =	vimm.s32 $0x4;
	v4 =	vimm.s32 $0x6;
	v5 =	vimm.s32 $0x2;
	s24 =	simm.s32 $0xA000;
	s25 =	simm.s32 $0xC000;
	s26 =	simm.s32 $0xE000  }
0x29f: {  	s15 =	simm.s32 $0x3  }
0x2a0: {  	_ =	swait.ge [sflag:s15], $0x3800  }
0x2a1: {  	[sflag:s15] =	ssyncset.done $0x0  }
0x2a2: {  	s16 =	simm.s32 $0x4;
	[sflag:s15] =	ssyncadd.s32 $0xFFFFC800  }
0x2a3: {  	_ =	swait.ge [sflag:s16], $0x3800  }
0x2a4: {  	s17 =	rddreg [dreg:$0x8]  }
0x2a5: {  	s21 =	rddreg [dreg:$0x7];
	s17 =	sadd.s32 $0x1, s17  }
0x2a6: {  	p0 =	sne.s32 s17, s21  }
.Ltmp2:
0x2a7: {  	_ = 	snop;
	(pc) =	sbr.rel @p0 .LBB2_1-.Ltmp2, $3  }
0x2a8: {  	_ =	sdelay $0x1  }
0x2a9: {  	[sflag:s16] =	ssyncset.done $0x0  }
0x2aa: {  	[sflag:s16] =	ssyncadd.s32 $0xFFFFC800  }
0x2ab: {  	_ =	sfence.sel $0x180000  }
0x2ac: {  	[bflag:$0x0] =	sbarrier.arrive $0xFFFF  }
0x2ad: {  	_ =	strace $0x90000047  }
0x2ae: {  	s0 =	stileid.u32;
	[bflag:$0x2] =	sbarrier.arrive $0xFFFF  }
0x2af: {  	p0 =	sne.s32 s0, $0x0;
	s0 =	rddreg [dreg:$0x2]  }
0x2b0: {  	s0 =	sadd.s32 @!p0 $0x100000, s0  }
0x2b1: {  	[sflag:s0] =	ssyncadd.tile.s32 @!p0 $0x1;
	_ =	shalt  }
.Lfunc_end2:
_tile_overlayer_lowered:
.L_overlay_start_2:
0x2b2: {  	(tag) =	ssettag $0x2  }
0x2b3: {  	s0 =	rddreg [dreg:$0x0];
	s2 =	stileid.u32  }
0x2b4: {  	s1 =	rddreg [dreg:$0x1];
	p0 =	sne.s32 s2, $0x0  }
0x2b5: {  	s3 =	rddreg [dreg:$0x2];
	[bflag:$0x3] =	sbarrier.arrive $0xFFFF;
	s2 =	simm.s32 @!p0 $0x1C05  }
0x2b6: {  	[timem:s3], [sflag:s2] =	dma.local @!p0 [hbm:s0], s1  }
0x2b7: {  	s0 =	simm.s32 @!p0 $0x5  }
0x2b8: {  	_ =	swait.ge @!p0 [sflag:s0], s1  }
0x2b9: {  	s1 =	ssub.s32 @!p0 $0x0, s1;
	[sflag:s0] =	ssyncset.done @!p0 $0x0  }
0x2ba: {  	[sflag:s0] =	ssyncadd.s32 @!p0 s1  }
0x2bb: {  	[bflag:$0x3] =	sbarrier.arrive $0xFFFF  }
0x2bc: {  	_ =	shalt  }

</sc_bundles>
